<compile_context>
chip_gen: v7x
topology: tpu7x:2x2x1
jax: 0.10.2.dev20260603
libtpu: 0.0.44.dev20260713+nightly
codegen_flags: <defaults>
</compile_context>

<pallas_src>
import functools

import jax
import jax.numpy as jnp
from jax import lax
from jax.experimental import pallas as pl
from jax.experimental.pallas import tpu as pltpu
from jax.experimental.pallas import tpu_sc as plsc

N_NODES = 10000
N_EDGES = 320000
D = 128
NUM_RBF = 16
RBF_MIN = 0.0
RBF_MAX = 12.0
GAMMA = 1.0 / ((RBF_MAX - RBF_MIN) / NUM_RBF) ** 2
MU_STEP = (RBF_MAX - RBF_MIN) / (NUM_RBF - 1)

NC = 2
NS = 16
NW = NC * NS
CH = 80
E_PER_W = N_EDGES // NW
ITERS = E_PER_W // CH


def _node_proj_body(x_ref, wt_ref, y_ref):
    y_ref[...] = 0.5 * jnp.dot(
        x_ref[...], wt_ref[...], preferred_element_type=jnp.float32
    )


def _node_proj(x, w_edge_t):
    return pl.pallas_call(
        _node_proj_body,
        out_shape=jax.ShapeDtypeStruct((N_NODES, D), jnp.float32),
    )(x, w_edge_t)


_sc_mesh = plsc.VectorSubcoreMesh(core_axis_name="c", subcore_axis_name="s")


@functools.partial(
    pl.kernel,
    mesh=_sc_mesh,
    out_type=jax.ShapeDtypeStruct((N_EDGES, D), jnp.float32),
    scratch_types=[
        pltpu.VMEM_SHARED((N_NODES, D), jnp.float32),
        pltpu.VMEM((CH,), jnp.int32),
        pltpu.VMEM((CH,), jnp.int32),
        pltpu.VMEM((CH,), jnp.int32),
        pltpu.VMEM((CH,), jnp.int32),
        pltpu.VMEM((CH, D), jnp.float32),
        pltpu.VMEM((CH, D), jnp.float32),
        pltpu.VMEM((CH, D), jnp.float32),
        pltpu.VMEM((CH, D), jnp.float32),
        pltpu.SemaphoreType.DMA,
        pltpu.SemaphoreType.DMA,
        pltpu.SemaphoreType.DMA,
        pltpu.SemaphoreType.DMA,
        pltpu.SemaphoreType.DMA,
        pltpu.SemaphoreType.DMA,
        pltpu.SemaphoreType.DMA,
        pltpu.SemaphoreType.DMA,
    ],
)
def _sc_gather_sum(y_hbm, src_hbm, dst_hbm, g_hbm,
                   y_sh, ia0, ib0, ia1, ib1, ra0, rb0, ra1, rb1,
                   ga0, gb0, ga1, gb1, ss0, ss1, is0, is1):
    sid = lax.axis_index("s")
    wid = sid * NC + lax.axis_index("c")
    ebase = wid * E_PER_W
    sets = (
        (ia0, ib0, ra0, rb0, ga0, gb0, ss0, is0),
        (ia1, ib1, ra1, rb1, ga1, gb1, ss1, is1),
    )

    slab = 624
    pltpu.sync_copy(
        y_hbm.at[pl.ds(sid * slab, slab)], y_sh.at[pl.ds(sid * slab, slab)]
    )

    @pl.when(sid == NS - 1)
    def _():
        tail = NS * slab
        pltpu.sync_copy(
            y_hbm.at[pl.ds(tail, N_NODES - tail)],
            y_sh.at[pl.ds(tail, N_NODES - tail)],
        )

    plsc.subcore_barrier()

    def issue_idx(j, s):
        ia, ib = sets[s][0], sets[s][1]
        isem = sets[s][7]
        base = ebase + j * CH
        pltpu.async_copy(src_hbm.at[pl.ds(base, CH)], ia, isem)
        pltpu.async_copy(dst_hbm.at[pl.ds(base, CH)], ib, isem)

    def wait_idx(s):
        ia, ib = sets[s][0], sets[s][1]
        isem = sets[s][7]
        pltpu.make_async_copy(src_hbm.at[pl.ds(0, CH)], ia, isem).wait()
        pltpu.make_async_copy(dst_hbm.at[pl.ds(0, CH)], ib, isem).wait()

    def issue_gathers(s):
        ia, ib, ra, rb, ga, gb = sets[s][:6]
        pltpu.async_copy(y_sh.at[ia], ra, ga)
        pltpu.async_copy(y_sh.at[ib], rb, gb)

    def wait_gathers(s):
        ia, ib, ra, rb, ga, gb = sets[s][:6]
        pltpu.make_async_copy(y_sh.at[ia], ra, ga).wait()
        pltpu.make_async_copy(y_sh.at[ib], rb, gb).wait()

    def wait_store(s):
        ra, ss = sets[s][2], sets[s][6]
        pltpu.make_async_copy(ra, g_hbm.at[pl.ds(0, CH)], ss).wait()

    def add_and_store(j, s):
        ra, rb = sets[s][2], sets[s][3]
        ss = sets[s][6]

        def row_body(r, rcarry):
            for jj in range(D // 16):
                sl = pl.ds(jj * 16, 16)
                ra[r, sl] = ra[r, sl] + rb[r, sl]
            return rcarry

        lax.fori_loop(0, CH, row_body, 0)
        pltpu.async_copy(ra, g_hbm.at[pl.ds(ebase + j * CH, CH)], ss)

    def sub_iter(j, p):
        q = 1 - p
        wait_gathers(p)

        @pl.when(j <= ITERS - 3)
        def _():
            issue_idx(j + 2, p)

        @pl.when(j <= ITERS - 2)
        def _():
            @pl.when(j >= 1)
            def _():
                wait_store(q)

            wait_idx(q)
            issue_gathers(q)

        add_and_store(j, p)

    issue_idx(0, 0)
    issue_idx(1, 1)
    wait_idx(0)
    issue_gathers(0)

    def pair_body(t, carry):
        sub_iter(2 * t, 0)
        sub_iter(2 * t + 1, 1)
        return carry

    lax.fori_loop(0, (ITERS - 1) // 2, pair_body, 0)
    wait_gathers(0)
    add_and_store(ITERS - 1, 0)

    wait_store(0)
    wait_store(1)


_EB = 6400


def _edge_final_body(g_ref, a_ref, wr_ref, b_ref, o_ref):
    d = a_ref[...]
    mu = (
        lax.broadcasted_iota(jnp.int32, (_EB, NUM_RBF), 1).astype(jnp.float32)
        * MU_STEP
        + RBF_MIN
    )
    diff = d - mu
    rbf = jnp.exp(-GAMMA * diff * diff)
    o_ref[...] = (
        g_ref[...]
        + jnp.dot(rbf, wr_ref[...], preferred_element_type=jnp.float32)
        + b_ref[...][None, :]
    )


def _edge_final(g, edge_attr_col, w_rbf_t, b_edge):
    n_blocks = N_EDGES // _EB
    return pl.pallas_call(
        _edge_final_body,
        grid=(n_blocks,),
        in_specs=[
            pl.BlockSpec((_EB, D), lambda i: (i, 0)),
            pl.BlockSpec((_EB, 1), lambda i: (i, 0)),
            pl.BlockSpec((NUM_RBF, D), lambda i: (0, 0)),
            pl.BlockSpec((D,), lambda i: (0,)),
        ],
        out_specs=pl.BlockSpec((_EB, D), lambda i: (i, 0)),
        out_shape=jax.ShapeDtypeStruct((N_EDGES, D), jnp.float32),
    )(g, edge_attr_col, w_rbf_t, b_edge)


def kernel(x, edge_index, edge_attr, W_rbf, W_edge, b_edge):
    src = edge_index[0]
    dst = edge_index[1]
    y = _node_proj(x, W_edge.T)
    g = _sc_gather_sum(y, src, dst)
    return _edge_final(g, edge_attr[:, None], W_rbf.T, b_edge)

# --- scband reference (transcript-rebuilt; emitter-appended) ---
"""Pipeline reference for scband-edge-init-layer-54305566490874 (READ-ONLY COPY).

The authoritative reference and input builder live on the scoring server;
editing this copy changes nothing except your own understanding.
"""

import jax, jax.numpy as jnp
import numpy as np

N_NODES = 10000
N_EDGES = 320000
NODE_DIM = 128
EDGE_DIM = 128
NUM_RBF = 16
RBF_MIN = 0.0
RBF_MAX = 12.0


def setup_inputs(seed: int = 0) -> dict:
    key = jax.random.key(seed)
    k1, k2, k3, k4, k5 = jax.random.split(key, 5)
    x = jax.random.normal(k1, (N_NODES, NODE_DIM), dtype=jnp.float32)
    edge_index = jax.random.randint(k2, (2, N_EDGES), 0, N_NODES, dtype=jnp.int32)
    edge_attr = jax.random.uniform(k3, (N_EDGES,), dtype=jnp.float32)
    # Learned parameters (torch Linear convention: weight is [out, in])
    W_rbf = jax.random.normal(k4, (EDGE_DIM, NUM_RBF), dtype=jnp.float32) * (1.0 / np.sqrt(NUM_RBF))
    W_edge = jax.random.normal(k5, (EDGE_DIM, NODE_DIM), dtype=jnp.float32) * (1.0 / np.sqrt(NODE_DIM))
    b_edge = jnp.zeros((EDGE_DIM,), dtype=jnp.float32)
    return {"x": x, "edge_index": edge_index, "edge_attr": edge_attr,
            "W_rbf": W_rbf, "W_edge": W_edge, "b_edge": b_edge}


def reference(x, edge_index, edge_attr, W_rbf, W_edge, b_edge):
    # RBF encoder constants (buffers, not trained)
    mu = jnp.linspace(RBF_MIN, RBF_MAX, NUM_RBF)
    gamma = 1.0 / ((RBF_MAX - RBF_MIN) / NUM_RBF) ** 2

    src = edge_index[0]
    dst = edge_index[1]
    # gather node features for both endpoints and average
    aggr_node_attr = (jnp.take(x, src, axis=0) + jnp.take(x, dst, axis=0)) / 2.0
    # RBF encoding of per-edge scalar distances
    d_expand = edge_attr[:, None]
    rbf = jnp.exp(-gamma * (d_expand - mu) ** 2)
    # rbf_linear (no bias) + edge_linear (with bias)
    out = rbf @ W_rbf.T
    out = out + aggr_node_attr @ W_edge.T + b_edge
    return out

if __name__ == "__main__":
    import jax
    _d = setup_inputs()
    print(jax.jit(kernel)(*tuple(_d.values())))

</pallas_src>

<mosaic_0001>
#map = affine_map<(d0, d1) -> (0, 0)>
#map1 = affine_map<(d0, d1) -> (0)>
module attributes {stable_mosaic.version = 14 : i64} {
  func.func @_sc_gather_sum(%arg0: i32, %arg1: i32, %arg2: memref<10000x128xf32, #tpu.memory_space<hbm>>, %arg3: memref<320000xi32, #tpu.memory_space<hbm>>, %arg4: memref<320000xi32, #tpu.memory_space<hbm>>, %arg5: memref<320000x128xf32, #tpu.memory_space<hbm>>, %arg6: memref<10000x128xf32, #tpu.memory_space<vmem_shared>>, %arg7: memref<80xi32, #tpu.memory_space<vmem>>, %arg8: memref<80xi32, #tpu.memory_space<vmem>>, %arg9: memref<80xi32, #tpu.memory_space<vmem>>, %arg10: memref<80xi32, #tpu.memory_space<vmem>>, %arg11: memref<80x128xf32, #tpu.memory_space<vmem>>, %arg12: memref<80x128xf32, #tpu.memory_space<vmem>>, %arg13: memref<80x128xf32, #tpu.memory_space<vmem>>, %arg14: memref<80x128xf32, #tpu.memory_space<vmem>>, %arg15: memref<!tpu.dma_semaphore, #tpu.memory_space<semaphore_mem>>, %arg16: memref<!tpu.dma_semaphore, #tpu.memory_space<semaphore_mem>>, %arg17: memref<!tpu.dma_semaphore, #tpu.memory_space<semaphore_mem>>, %arg18: memref<!tpu.dma_semaphore, #tpu.memory_space<semaphore_mem>>, %arg19: memref<!tpu.dma_semaphore, #tpu.memory_space<semaphore_mem>>, %arg20: memref<!tpu.dma_semaphore, #tpu.memory_space<semaphore_mem>>, %arg21: memref<!tpu.dma_semaphore, #tpu.memory_space<semaphore_mem>>, %arg22: memref<!tpu.dma_semaphore, #tpu.memory_space<semaphore_mem>>) attributes {dimension_semantics = [#tpu.dimension_semantics<core_parallel>, #tpu.dimension_semantics<subcore_parallel>], iteration_bounds = array<i64: 2, 16>, scalar_prefetch = 0 : i64, scratch_operands = 17 : i64, tpu.core_type = #tpu.core_type<sc_vector_subcore>, window_params = [{transform_indices = #map}, {transform_indices = #map1}, {transform_indices = #map1}, {transform_indices = #map}]} {
    %mul3A = arith.constant 2 : i32
    %mul3A_0 = arith.muli %arg1, %mul3A : i32
    %add3A = arith.addi %mul3A_0, %arg0 : i32
    %mul3A_1 = arith.constant 10000 : i32
    %mul3A_2 = arith.muli %add3A, %mul3A_1 : i32
    %mul3A_3 = arith.constant 624 : i32
    %mul3A_4 = arith.muli %arg1, %mul3A_3 : i32
    %mul3A_5 = arith.constant 624 : i32
    %mul3A_6 = arith.muli %arg1, %mul3A_5 : i32
    "tpu.region"() ({
      %run_scoped3A = tpu.sem_alloc : memref<!tpu.dma_semaphore, #tpu.memory_space<semaphore_mem>>
      %dma_start3A_68 = arith.constant 0 : i32
      %dma_start3A_69 = tpu.memref_slice %arg6[%mul3A_6, %dma_start3A_68] : memref<10000x128xf32, #tpu.memory_space<vmem_shared>> -> memref<624x128xf32, #tpu.memory_space<vmem_shared>>
      %dma_start3A_70 = arith.constant 0 : i32
      %dma_start3A_71 = tpu.memref_slice %arg2[%mul3A_4, %dma_start3A_70] : memref<10000x128xf32, #tpu.memory_space<hbm>> -> memref<624x128xf32, #tpu.memory_space<hbm>>
      tpu.enqueue_dma source(%dma_start3A_71 : memref<624x128xf32, #tpu.memory_space<hbm>>) target(%dma_start3A_69 : memref<624x128xf32, #tpu.memory_space<vmem_shared>>) target_semaphore(%run_scoped3A : memref<!tpu.dma_semaphore, #tpu.memory_space<semaphore_mem>>)
      %dma_wait3A_72 = arith.constant 0 : i32
      %dma_wait3A_73 = tpu.memref_slice %arg6[%mul3A_6, %dma_wait3A_72] : memref<10000x128xf32, #tpu.memory_space<vmem_shared>> -> memref<624x128xf32, #tpu.memory_space<vmem_shared>>
      %dma_wait3A_74 = arith.constant 0 : i32
      %dma_wait3A_75 = tpu.memref_slice %arg2[%mul3A_4, %dma_wait3A_74] : memref<10000x128xf32, #tpu.memory_space<hbm>> -> memref<624x128xf32, #tpu.memory_space<hbm>>
      tpu.wait_dma2 semaphore(%run_scoped3A : memref<!tpu.dma_semaphore, #tpu.memory_space<semaphore_mem>>) src(%dma_wait3A_75 : memref<624x128xf32, #tpu.memory_space<hbm>>) dst(%dma_wait3A_73 : memref<624x128xf32, #tpu.memory_space<vmem_shared>>)
      tpu.yield
    }) : () -> ()
    %eq3A = arith.constant 15 : i32
    %eq3A_7 = arith.cmpi eq, %arg1, %eq3A : i32
    %convert_element_type3A = arith.extui %eq3A_7 : i1 to i32
    %cond3A = arith.constant 0 : i32
    %cond3A_8 = arith.cmpi ne, %convert_element_type3A, %cond3A : i32
    scf.if %cond3A_8 {
      "tpu.region"() ({
        %run_scoped3A = tpu.sem_alloc : memref<!tpu.dma_semaphore, #tpu.memory_space<semaphore_mem>>
        %dma_start3A_68 = arith.constant 9984 : i32
        %dma_start3A_69 = arith.constant 0 : i32
        %dma_start3A_70 = tpu.memref_slice %arg6[%dma_start3A_68, %dma_start3A_69] : memref<10000x128xf32, #tpu.memory_space<vmem_shared>> -> memref<16x128xf32, #tpu.memory_space<vmem_shared>>
        %dma_start3A_71 = arith.constant 9984 : i32
        %dma_start3A_72 = arith.constant 0 : i32
        %dma_start3A_73 = tpu.memref_slice %arg2[%dma_start3A_71, %dma_start3A_72] : memref<10000x128xf32, #tpu.memory_space<hbm>> -> memref<16x128xf32, #tpu.memory_space<hbm>>
        tpu.enqueue_dma source(%dma_start3A_73 : memref<16x128xf32, #tpu.memory_space<hbm>>) target(%dma_start3A_70 : memref<16x128xf32, #tpu.memory_space<vmem_shared>>) target_semaphore(%run_scoped3A : memref<!tpu.dma_semaphore, #tpu.memory_space<semaphore_mem>>)
        %dma_wait3A_74 = arith.constant 9984 : i32
        %dma_wait3A_75 = arith.constant 0 : i32
        %dma_wait3A_76 = tpu.memref_slice %arg6[%dma_wait3A_74, %dma_wait3A_75] : memref<10000x128xf32, #tpu.memory_space<vmem_shared>> -> memref<16x128xf32, #tpu.memory_space<vmem_shared>>
        %dma_wait3A_77 = arith.constant 9984 : i32
        %dma_wait3A_78 = arith.constant 0 : i32
        %dma_wait3A_79 = tpu.memref_slice %arg2[%dma_wait3A_77, %dma_wait3A_78] : memref<10000x128xf32, #tpu.memory_space<hbm>> -> memref<16x128xf32, #tpu.memory_space<hbm>>
        tpu.wait_dma2 semaphore(%run_scoped3A : memref<!tpu.dma_semaphore, #tpu.memory_space<semaphore_mem>>) src(%dma_wait3A_79 : memref<16x128xf32, #tpu.memory_space<hbm>>) dst(%dma_wait3A_76 : memref<16x128xf32, #tpu.memory_space<vmem_shared>>)
        tpu.yield
      }) : () -> ()
    } else {
    }
    %barrier3A = arith.constant 0 : index
    tpu.barrier barrier_id(%barrier3A)
    %add3A_9 = arith.constant 0 : i32
    %add3A_10 = arith.addi %mul3A_2, %add3A_9 : i32
    %dma_start3A = tpu.memref_slice %arg3[%add3A_10] : memref<320000xi32, #tpu.memory_space<hbm>> -> memref<80xi32, #tpu.memory_space<hbm>>
    %dma_start3A_11 = tpu.memref_slice %arg3[%add3A_10] : memref<320000xi32, #tpu.memory_space<hbm>> -> memref<80xi32, #tpu.memory_space<hbm>>
    tpu.enqueue_dma source(%dma_start3A_11 : memref<80xi32, #tpu.memory_space<hbm>>) target(%arg7 : memref<80xi32, #tpu.memory_space<vmem>>) target_semaphore(%arg21 : memref<!tpu.dma_semaphore, #tpu.memory_space<semaphore_mem>>)
    %dma_start3A_12 = tpu.memref_slice %arg4[%add3A_10] : memref<320000xi32, #tpu.memory_space<hbm>> -> memref<80xi32, #tpu.memory_space<hbm>>
    %dma_start3A_13 = tpu.memref_slice %arg4[%add3A_10] : memref<320000xi32, #tpu.memory_space<hbm>> -> memref<80xi32, #tpu.memory_space<hbm>>
    tpu.enqueue_dma source(%dma_start3A_13 : memref<80xi32, #tpu.memory_space<hbm>>) target(%arg8 : memref<80xi32, #tpu.memory_space<vmem>>) target_semaphore(%arg21 : memref<!tpu.dma_semaphore, #tpu.memory_space<semaphore_mem>>)
    %add3A_14 = arith.constant 80 : i32
    %add3A_15 = arith.addi %mul3A_2, %add3A_14 : i32
    %dma_start3A_16 = tpu.memref_slice %arg3[%add3A_15] : memref<320000xi32, #tpu.memory_space<hbm>> -> memref<80xi32, #tpu.memory_space<hbm>>
    %dma_start3A_17 = tpu.memref_slice %arg3[%add3A_15] : memref<320000xi32, #tpu.memory_space<hbm>> -> memref<80xi32, #tpu.memory_space<hbm>>
    tpu.enqueue_dma source(%dma_start3A_17 : memref<80xi32, #tpu.memory_space<hbm>>) target(%arg9 : memref<80xi32, #tpu.memory_space<vmem>>) target_semaphore(%arg22 : memref<!tpu.dma_semaphore, #tpu.memory_space<semaphore_mem>>)
    %dma_start3A_18 = tpu.memref_slice %arg4[%add3A_15] : memref<320000xi32, #tpu.memory_space<hbm>> -> memref<80xi32, #tpu.memory_space<hbm>>
    %dma_start3A_19 = tpu.memref_slice %arg4[%add3A_15] : memref<320000xi32, #tpu.memory_space<hbm>> -> memref<80xi32, #tpu.memory_space<hbm>>
    tpu.enqueue_dma source(%dma_start3A_19 : memref<80xi32, #tpu.memory_space<hbm>>) target(%arg10 : memref<80xi32, #tpu.memory_space<vmem>>) target_semaphore(%arg22 : memref<!tpu.dma_semaphore, #tpu.memory_space<semaphore_mem>>)
    %dma_wait3A = arith.constant 0 : i32
    %dma_wait3A_20 = tpu.memref_slice %arg3[%dma_wait3A] : memref<320000xi32, #tpu.memory_space<hbm>> -> memref<80xi32, #tpu.memory_space<hbm>>
    %dma_wait3A_21 = arith.constant 0 : i32
    %dma_wait3A_22 = tpu.memref_slice %arg3[%dma_wait3A_21] : memref<320000xi32, #tpu.memory_space<hbm>> -> memref<80xi32, #tpu.memory_space<hbm>>
    tpu.wait_dma2 semaphore(%arg21 : memref<!tpu.dma_semaphore, #tpu.memory_space<semaphore_mem>>) src(%dma_wait3A_22 : memref<80xi32, #tpu.memory_space<hbm>>) dst(%arg7 : memref<80xi32, #tpu.memory_space<vmem>>)
    %dma_wait3A_23 = arith.constant 0 : i32
    %dma_wait3A_24 = tpu.memref_slice %arg4[%dma_wait3A_23] : memref<320000xi32, #tpu.memory_space<hbm>> -> memref<80xi32, #tpu.memory_space<hbm>>
    %dma_wait3A_25 = arith.constant 0 : i32
    %dma_wait3A_26 = tpu.memref_slice %arg4[%dma_wait3A_25] : memref<320000xi32, #tpu.memory_space<hbm>> -> memref<80xi32, #tpu.memory_space<hbm>>
    tpu.wait_dma2 semaphore(%arg21 : memref<!tpu.dma_semaphore, #tpu.memory_space<semaphore_mem>>) src(%dma_wait3A_26 : memref<80xi32, #tpu.memory_space<hbm>>) dst(%arg8 : memref<80xi32, #tpu.memory_space<vmem>>)
    %dma_start3A_27 = arith.constant 0 : i32
    %dma_start3A_28 = arith.constant 0 : i32
    %dma_start3A_29 = tpu.memref_slice %arg6[%dma_start3A_27, %dma_start3A_28] : memref<10000x128xf32, #tpu.memory_space<vmem_shared>> -> memref<10000x128xf32, #tpu.memory_space<vmem_shared>>
    tpu.enqueue_indirect_dma source(%dma_start3A_29 : memref<10000x128xf32, #tpu.memory_space<vmem_shared>>) target(%arg11 : memref<80x128xf32, #tpu.memory_space<vmem>>) offsets(%arg7 : memref<80xi32, #tpu.memory_space<vmem>>) semaphore(%arg15 : memref<!tpu.dma_semaphore, #tpu.memory_space<semaphore_mem>>)
    %dma_start3A_30 = arith.constant 0 : i32
    %dma_start3A_31 = arith.constant 0 : i32
    %dma_start3A_32 = tpu.memref_slice %arg6[%dma_start3A_30, %dma_start3A_31] : memref<10000x128xf32, #tpu.memory_space<vmem_shared>> -> memref<10000x128xf32, #tpu.memory_space<vmem_shared>>
    tpu.enqueue_indirect_dma source(%dma_start3A_32 : memref<10000x128xf32, #tpu.memory_space<vmem_shared>>) target(%arg12 : memref<80x128xf32, #tpu.memory_space<vmem>>) offsets(%arg8 : memref<80xi32, #tpu.memory_space<vmem>>) semaphore(%arg16 : memref<!tpu.dma_semaphore, #tpu.memory_space<semaphore_mem>>)
    %scan3A = arith.constant 0 : i32
    %scan3A_33 = arith.constant 0 : i32
    %scan3A_34 = arith.constant 62 : i32
    %scan3A_35 = arith.addi %scan3A_33, %scan3A_34 : i32
    %scan3A_36 = arith.constant 1 : i32
    scf.for %scan3A_68 = %scan3A_33 to %scan3A_35 step %scan3A_36  : i32 {
      %mul3A_69 = arith.constant 2 : i32
      %mul3A_70 = arith.muli %mul3A_69, %scan3A_68 : i32
      %dma_wait3A_71 = arith.constant 0 : i32
      %dma_wait3A_72 = arith.constant 0 : i32
      %dma_wait3A_73 = tpu.memref_slice %arg6[%dma_wait3A_71, %dma_wait3A_72] : memref<10000x128xf32, #tpu.memory_space<vmem_shared>> -> memref<10000x128xf32, #tpu.memory_space<vmem_shared>>
      tpu.wait_indirect_dma semaphore(%arg15 : memref<!tpu.dma_semaphore, #tpu.memory_space<semaphore_mem>>) src(%dma_wait3A_73 : memref<10000x128xf32, #tpu.memory_space<vmem_shared>>) dst(%arg11 : memref<80x128xf32, #tpu.memory_space<vmem>>)
      %dma_wait3A_74 = arith.constant 0 : i32
      %dma_wait3A_75 = arith.constant 0 : i32
      %dma_wait3A_76 = tpu.memref_slice %arg6[%dma_wait3A_74, %dma_wait3A_75] : memref<10000x128xf32, #tpu.memory_space<vmem_shared>> -> memref<10000x128xf32, #tpu.memory_space<vmem_shared>>
      tpu.wait_indirect_dma semaphore(%arg16 : memref<!tpu.dma_semaphore, #tpu.memory_space<semaphore_mem>>) src(%dma_wait3A_76 : memref<10000x128xf32, #tpu.memory_space<vmem_shared>>) dst(%arg12 : memref<80x128xf32, #tpu.memory_space<vmem>>)
      %le3A = arith.constant 122 : i32
      %le3A_77 = arith.cmpi sle, %mul3A_70, %le3A : i32
      %convert_element_type3A_78 = arith.extui %le3A_77 : i1 to i32
      %cond3A_79 = arith.constant 0 : i32
      %cond3A_80 = arith.cmpi ne, %convert_element_type3A_78, %cond3A_79 : i32
      scf.if %cond3A_80 {
        %add3A_132 = arith.constant 2 : i32
        %add3A_133 = arith.addi %mul3A_70, %add3A_132 : i32
        %mul3A_134 = arith.constant 80 : i32
        %mul3A_135 = arith.muli %add3A_133, %mul3A_134 : i32
        %add3A_136 = arith.addi %mul3A_2, %mul3A_135 : i32
        %dma_start3A_137 = tpu.memref_slice %arg3[%add3A_136] : memref<320000xi32, #tpu.memory_space<hbm>> -> memref<80xi32, #tpu.memory_space<hbm>>
        %dma_start3A_138 = tpu.memref_slice %arg3[%add3A_136] : memref<320000xi32, #tpu.memory_space<hbm>> -> memref<80xi32, #tpu.memory_space<hbm>>
        tpu.enqueue_dma source(%dma_start3A_138 : memref<80xi32, #tpu.memory_space<hbm>>) target(%arg7 : memref<80xi32, #tpu.memory_space<vmem>>) target_semaphore(%arg21 : memref<!tpu.dma_semaphore, #tpu.memory_space<semaphore_mem>>)
        %dma_start3A_139 = tpu.memref_slice %arg4[%add3A_136] : memref<320000xi32, #tpu.memory_space<hbm>> -> memref<80xi32, #tpu.memory_space<hbm>>
        %dma_start3A_140 = tpu.memref_slice %arg4[%add3A_136] : memref<320000xi32, #tpu.memory_space<hbm>> -> memref<80xi32, #tpu.memory_space<hbm>>
        tpu.enqueue_dma source(%dma_start3A_140 : memref<80xi32, #tpu.memory_space<hbm>>) target(%arg8 : memref<80xi32, #tpu.memory_space<vmem>>) target_semaphore(%arg21 : memref<!tpu.dma_semaphore, #tpu.memory_space<semaphore_mem>>)
      } else {
      }
      %le3A_81 = arith.constant 123 : i32
      %le3A_82 = arith.cmpi sle, %mul3A_70, %le3A_81 : i32
      %convert_element_type3A_83 = arith.extui %le3A_82 : i1 to i32
      %cond3A_84 = arith.constant 0 : i32
      %cond3A_85 = arith.cmpi ne, %convert_element_type3A_83, %cond3A_84 : i32
      scf.if %cond3A_85 {
        %ge3A = arith.constant 1 : i32
        %ge3A_132 = arith.cmpi sge, %mul3A_70, %ge3A : i32
        %convert_element_type3A_133 = arith.extui %ge3A_132 : i1 to i32
        %cond3A_134 = arith.constant 0 : i32
        %cond3A_135 = arith.cmpi ne, %convert_element_type3A_133, %cond3A_134 : i32
        scf.if %cond3A_135 {
          %dma_wait3A_150 = arith.constant 0 : i32
          %dma_wait3A_151 = arith.constant 0 : i32
          %dma_wait3A_152 = tpu.memref_slice %arg5[%dma_wait3A_150, %dma_wait3A_151] : memref<320000x128xf32, #tpu.memory_space<hbm>> -> memref<80x128xf32, #tpu.memory_space<hbm>>
          %dma_wait3A_153 = arith.constant 0 : i32
          %dma_wait3A_154 = arith.constant 0 : i32
          %dma_wait3A_155 = tpu.memref_slice %arg5[%dma_wait3A_153, %dma_wait3A_154] : memref<320000x128xf32, #tpu.memory_space<hbm>> -> memref<80x128xf32, #tpu.memory_space<hbm>>
          tpu.wait_dma2 semaphore(%arg20 : memref<!tpu.dma_semaphore, #tpu.memory_space<semaphore_mem>>) src(%arg13 : memref<80x128xf32, #tpu.memory_space<vmem>>) dst(%dma_wait3A_155 : memref<80x128xf32, #tpu.memory_space<hbm>>)
        } else {
        }
        %dma_wait3A_136 = arith.constant 0 : i32
        %dma_wait3A_137 = tpu.memref_slice %arg3[%dma_wait3A_136] : memref<320000xi32, #tpu.memory_space<hbm>> -> memref<80xi32, #tpu.memory_space<hbm>>
        %dma_wait3A_138 = arith.constant 0 : i32
        %dma_wait3A_139 = tpu.memref_slice %arg3[%dma_wait3A_138] : memref<320000xi32, #tpu.memory_space<hbm>> -> memref<80xi32, #tpu.memory_space<hbm>>
        tpu.wait_dma2 semaphore(%arg22 : memref<!tpu.dma_semaphore, #tpu.memory_space<semaphore_mem>>) src(%dma_wait3A_139 : memref<80xi32, #tpu.memory_space<hbm>>) dst(%arg9 : memref<80xi32, #tpu.memory_space<vmem>>)
        %dma_wait3A_140 = arith.constant 0 : i32
        %dma_wait3A_141 = tpu.memref_slice %arg4[%dma_wait3A_140] : memref<320000xi32, #tpu.memory_space<hbm>> -> memref<80xi32, #tpu.memory_space<hbm>>
        %dma_wait3A_142 = arith.constant 0 : i32
        %dma_wait3A_143 = tpu.memref_slice %arg4[%dma_wait3A_142] : memref<320000xi32, #tpu.memory_space<hbm>> -> memref<80xi32, #tpu.memory_space<hbm>>
        tpu.wait_dma2 semaphore(%arg22 : memref<!tpu.dma_semaphore, #tpu.memory_space<semaphore_mem>>) src(%dma_wait3A_143 : memref<80xi32, #tpu.memory_space<hbm>>) dst(%arg10 : memref<80xi32, #tpu.memory_space<vmem>>)
        %dma_start3A_144 = arith.constant 0 : i32
        %dma_start3A_145 = arith.constant 0 : i32
        %dma_start3A_146 = tpu.memref_slice %arg6[%dma_start3A_144, %dma_start3A_145] : memref<10000x128xf32, #tpu.memory_space<vmem_shared>> -> memref<10000x128xf32, #tpu.memory_space<vmem_shared>>
        tpu.enqueue_indirect_dma source(%dma_start3A_146 : memref<10000x128xf32, #tpu.memory_space<vmem_shared>>) target(%arg13 : memref<80x128xf32, #tpu.memory_space<vmem>>) offsets(%arg9 : memref<80xi32, #tpu.memory_space<vmem>>) semaphore(%arg17 : memref<!tpu.dma_semaphore, #tpu.memory_space<semaphore_mem>>)
        %dma_start3A_147 = arith.constant 0 : i32
        %dma_start3A_148 = arith.constant 0 : i32
        %dma_start3A_149 = tpu.memref_slice %arg6[%dma_start3A_147, %dma_start3A_148] : memref<10000x128xf32, #tpu.memory_space<vmem_shared>> -> memref<10000x128xf32, #tpu.memory_space<vmem_shared>>
        tpu.enqueue_indirect_dma source(%dma_start3A_149 : memref<10000x128xf32, #tpu.memory_space<vmem_shared>>) target(%arg14 : memref<80x128xf32, #tpu.memory_space<vmem>>) offsets(%arg10 : memref<80xi32, #tpu.memory_space<vmem>>) semaphore(%arg18 : memref<!tpu.dma_semaphore, #tpu.memory_space<semaphore_mem>>)
      } else {
      }
      %scan3A_86 = arith.constant 0 : i32
      %scan3A_87 = arith.constant 0 : i32
      %scan3A_88 = arith.constant 80 : i32
      %scan3A_89 = arith.addi %scan3A_87, %scan3A_88 : i32
      %scan3A_90 = arith.constant 1 : i32
      scf.for %scan3A_132 = %scan3A_87 to %scan3A_89 step %scan3A_90  : i32 {
        %get3A = arith.index_cast %scan3A_132 : i32 to index
        %get3A_133 = arith.constant 0 : index
        %get3A_134 = tpu.vector_load %arg11[%get3A, %get3A_133] {strides = array<i32>} : memref<80x128xf32, #tpu.memory_space<vmem>>, vector<1x16xf32>,
        %get3A_135 = vector.shape_cast %get3A_134 : vector<1x16xf32> to vector<16xf32>
        %get3A_136 = arith.index_cast %scan3A_132 : i32 to index
        %get3A_137 = arith.constant 0 : index
        %get3A_138 = tpu.vector_load %arg12[%get3A_136, %get3A_137] {strides = array<i32>} : memref<80x128xf32, #tpu.memory_space<vmem>>, vector<1x16xf32>,
        %get3A_139 = vector.shape_cast %get3A_138 : vector<1x16xf32> to vector<16xf32>
        %add3A_140 = arith.addf %get3A_135, %get3A_139 : vector<16xf32>
        %swap3A = arith.index_cast %scan3A_132 : i32 to index
        %swap3A_141 = arith.constant 0 : index
        %swap3A_142 = tpu.vector_load %arg11[%swap3A, %swap3A_141] {strides = array<i32>} : memref<80x128xf32, #tpu.memory_space<vmem>>, vector<1x16xf32>,
        %swap3A_143 = vector.shape_cast %swap3A_142 : vector<1x16xf32> to vector<16xf32>
        %swap3A_144 = vector.shape_cast %add3A_140 : vector<16xf32> to vector<1x16xf32>
        tpu.vector_store %arg11[%swap3A, %swap3A_141], %swap3A_144 {strides = array<i32>} : memref<80x128xf32, #tpu.memory_space<vmem>>, vector<1x16xf32>,
        %get3A_145 = arith.index_cast %scan3A_132 : i32 to index
        %get3A_146 = arith.constant 16 : index
        %get3A_147 = tpu.vector_load %arg11[%get3A_145, %get3A_146] {strides = array<i32>} : memref<80x128xf32, #tpu.memory_space<vmem>>, vector<1x16xf32>,
        %get3A_148 = vector.shape_cast %get3A_147 : vector<1x16xf32> to vector<16xf32>
        %get3A_149 = arith.index_cast %scan3A_132 : i32 to index
        %get3A_150 = arith.constant 16 : index
        %get3A_151 = tpu.vector_load %arg12[%get3A_149, %get3A_150] {strides = array<i32>} : memref<80x128xf32, #tpu.memory_space<vmem>>, vector<1x16xf32>,
        %get3A_152 = vector.shape_cast %get3A_151 : vector<1x16xf32> to vector<16xf32>
        %add3A_153 = arith.addf %get3A_148, %get3A_152 : vector<16xf32>
        %swap3A_154 = arith.index_cast %scan3A_132 : i32 to index
        %swap3A_155 = arith.constant 16 : index
        %swap3A_156 = tpu.vector_load %arg11[%swap3A_154, %swap3A_155] {strides = array<i32>} : memref<80x128xf32, #tpu.memory_space<vmem>>, vector<1x16xf32>,
        %swap3A_157 = vector.shape_cast %swap3A_156 : vector<1x16xf32> to vector<16xf32>
        %swap3A_158 = vector.shape_cast %add3A_153 : vector<16xf32> to vector<1x16xf32>
        tpu.vector_store %arg11[%swap3A_154, %swap3A_155], %swap3A_158 {strides = array<i32>} : memref<80x128xf32, #tpu.memory_space<vmem>>, vector<1x16xf32>,
        %get3A_159 = arith.index_cast %scan3A_132 : i32 to index
        %get3A_160 = arith.constant 32 : index
        %get3A_161 = tpu.vector_load %arg11[%get3A_159, %get3A_160] {strides = array<i32>} : memref<80x128xf32, #tpu.memory_space<vmem>>, vector<1x16xf32>,
        %get3A_162 = vector.shape_cast %get3A_161 : vector<1x16xf32> to vector<16xf32>
        %get3A_163 = arith.index_cast %scan3A_132 : i32 to index
        %get3A_164 = arith.constant 32 : index
        %get3A_165 = tpu.vector_load %arg12[%get3A_163, %get3A_164] {strides = array<i32>} : memref<80x128xf32, #tpu.memory_space<vmem>>, vector<1x16xf32>,
        %get3A_166 = vector.shape_cast %get3A_165 : vector<1x16xf32> to vector<16xf32>
        %add3A_167 = arith.addf %get3A_162, %get3A_166 : vector<16xf32>
        %swap3A_168 = arith.index_cast %scan3A_132 : i32 to index
        %swap3A_169 = arith.constant 32 : index
        %swap3A_170 = tpu.vector_load %arg11[%swap3A_168, %swap3A_169] {strides = array<i32>} : memref<80x128xf32, #tpu.memory_space<vmem>>, vector<1x16xf32>,
        %swap3A_171 = vector.shape_cast %swap3A_170 : vector<1x16xf32> to vector<16xf32>
        %swap3A_172 = vector.shape_cast %add3A_167 : vector<16xf32> to vector<1x16xf32>
        tpu.vector_store %arg11[%swap3A_168, %swap3A_169], %swap3A_172 {strides = array<i32>} : memref<80x128xf32, #tpu.memory_space<vmem>>, vector<1x16xf32>,
        %get3A_173 = arith.index_cast %scan3A_132 : i32 to index
        %get3A_174 = arith.constant 48 : index
        %get3A_175 = tpu.vector_load %arg11[%get3A_173, %get3A_174] {strides = array<i32>} : memref<80x128xf32, #tpu.memory_space<vmem>>, vector<1x16xf32>,
        %get3A_176 = vector.shape_cast %get3A_175 : vector<1x16xf32> to vector<16xf32>
        %get3A_177 = arith.index_cast %scan3A_132 : i32 to index
        %get3A_178 = arith.constant 48 : index
        %get3A_179 = tpu.vector_load %arg12[%get3A_177, %get3A_178] {strides = array<i32>} : memref<80x128xf32, #tpu.memory_space<vmem>>, vector<1x16xf32>,
        %get3A_180 = vector.shape_cast %get3A_179 : vector<1x16xf32> to vector<16xf32>
        %add3A_181 = arith.addf %get3A_176, %get3A_180 : vector<16xf32>
        %swap3A_182 = arith.index_cast %scan3A_132 : i32 to index
        %swap3A_183 = arith.constant 48 : index
        %swap3A_184 = tpu.vector_load %arg11[%swap3A_182, %swap3A_183] {strides = array<i32>} : memref<80x128xf32, #tpu.memory_space<vmem>>, vector<1x16xf32>,
        %swap3A_185 = vector.shape_cast %swap3A_184 : vector<1x16xf32> to vector<16xf32>
        %swap3A_186 = vector.shape_cast %add3A_181 : vector<16xf32> to vector<1x16xf32>
        tpu.vector_store %arg11[%swap3A_182, %swap3A_183], %swap3A_186 {strides = array<i32>} : memref<80x128xf32, #tpu.memory_space<vmem>>, vector<1x16xf32>,
        %get3A_187 = arith.index_cast %scan3A_132 : i32 to index
        %get3A_188 = arith.constant 64 : index
        %get3A_189 = tpu.vector_load %arg11[%get3A_187, %get3A_188] {strides = array<i32>} : memref<80x128xf32, #tpu.memory_space<vmem>>, vector<1x16xf32>,
        %get3A_190 = vector.shape_cast %get3A_189 : vector<1x16xf32> to vector<16xf32>
        %get3A_191 = arith.index_cast %scan3A_132 : i32 to index
        %get3A_192 = arith.constant 64 : index
        %get3A_193 = tpu.vector_load %arg12[%get3A_191, %get3A_192] {strides = array<i32>} : memref<80x128xf32, #tpu.memory_space<vmem>>, vector<1x16xf32>,
        %get3A_194 = vector.shape_cast %get3A_193 : vector<1x16xf32> to vector<16xf32>
        %add3A_195 = arith.addf %get3A_190, %get3A_194 : vector<16xf32>
        %swap3A_196 = arith.index_cast %scan3A_132 : i32 to index
        %swap3A_197 = arith.constant 64 : index
        %swap3A_198 = tpu.vector_load %arg11[%swap3A_196, %swap3A_197] {strides = array<i32>} : memref<80x128xf32, #tpu.memory_space<vmem>>, vector<1x16xf32>,
        %swap3A_199 = vector.shape_cast %swap3A_198 : vector<1x16xf32> to vector<16xf32>
        %swap3A_200 = vector.shape_cast %add3A_195 : vector<16xf32> to vector<1x16xf32>
        tpu.vector_store %arg11[%swap3A_196, %swap3A_197], %swap3A_200 {strides = array<i32>} : memref<80x128xf32, #tpu.memory_space<vmem>>, vector<1x16xf32>,
        %get3A_201 = arith.index_cast %scan3A_132 : i32 to index
        %get3A_202 = arith.constant 80 : index
        %get3A_203 = tpu.vector_load %arg11[%get3A_201, %get3A_202] {strides = array<i32>} : memref<80x128xf32, #tpu.memory_space<vmem>>, vector<1x16xf32>,
        %get3A_204 = vector.shape_cast %get3A_203 : vector<1x16xf32> to vector<16xf32>
        %get3A_205 = arith.index_cast %scan3A_132 : i32 to index
        %get3A_206 = arith.constant 80 : index
        %get3A_207 = tpu.vector_load %arg12[%get3A_205, %get3A_206] {strides = array<i32>} : memref<80x128xf32, #tpu.memory_space<vmem>>, vector<1x16xf32>,
        %get3A_208 = vector.shape_cast %get3A_207 : vector<1x16xf32> to vector<16xf32>
        %add3A_209 = arith.addf %get3A_204, %get3A_208 : vector<16xf32>
        %swap3A_210 = arith.index_cast %scan3A_132 : i32 to index
        %swap3A_211 = arith.constant 80 : index
        %swap3A_212 = tpu.vector_load %arg11[%swap3A_210, %swap3A_211] {strides = array<i32>} : memref<80x128xf32, #tpu.memory_space<vmem>>, vector<1x16xf32>,
        %swap3A_213 = vector.shape_cast %swap3A_212 : vector<1x16xf32> to vector<16xf32>
        %swap3A_214 = vector.shape_cast %add3A_209 : vector<16xf32> to vector<1x16xf32>
        tpu.vector_store %arg11[%swap3A_210, %swap3A_211], %swap3A_214 {strides = array<i32>} : memref<80x128xf32, #tpu.memory_space<vmem>>, vector<1x16xf32>,
        %get3A_215 = arith.index_cast %scan3A_132 : i32 to index
        %get3A_216 = arith.constant 96 : index
        %get3A_217 = tpu.vector_load %arg11[%get3A_215, %get3A_216] {strides = array<i32>} : memref<80x128xf32, #tpu.memory_space<vmem>>, vector<1x16xf32>,
        %get3A_218 = vector.shape_cast %get3A_217 : vector<1x16xf32> to vector<16xf32>
        %get3A_219 = arith.index_cast %scan3A_132 : i32 to index
        %get3A_220 = arith.constant 96 : index
        %get3A_221 = tpu.vector_load %arg12[%get3A_219, %get3A_220] {strides = array<i32>} : memref<80x128xf32, #tpu.memory_space<vmem>>, vector<1x16xf32>,
        %get3A_222 = vector.shape_cast %get3A_221 : vector<1x16xf32> to vector<16xf32>
        %add3A_223 = arith.addf %get3A_218, %get3A_222 : vector<16xf32>
        %swap3A_224 = arith.index_cast %scan3A_132 : i32 to index
        %swap3A_225 = arith.constant 96 : index
        %swap3A_226 = tpu.vector_load %arg11[%swap3A_224, %swap3A_225] {strides = array<i32>} : memref<80x128xf32, #tpu.memory_space<vmem>>, vector<1x16xf32>,
        %swap3A_227 = vector.shape_cast %swap3A_226 : vector<1x16xf32> to vector<16xf32>
        %swap3A_228 = vector.shape_cast %add3A_223 : vector<16xf32> to vector<1x16xf32>
        tpu.vector_store %arg11[%swap3A_224, %swap3A_225], %swap3A_228 {strides = array<i32>} : memref<80x128xf32, #tpu.memory_space<vmem>>, vector<1x16xf32>,
        %get3A_229 = arith.index_cast %scan3A_132 : i32 to index
        %get3A_230 = arith.constant 112 : index
        %get3A_231 = tpu.vector_load %arg11[%get3A_229, %get3A_230] {strides = array<i32>} : memref<80x128xf32, #tpu.memory_space<vmem>>, vector<1x16xf32>,
        %get3A_232 = vector.shape_cast %get3A_231 : vector<1x16xf32> to vector<16xf32>
        %get3A_233 = arith.index_cast %scan3A_132 : i32 to index
        %get3A_234 = arith.constant 112 : index
        %get3A_235 = tpu.vector_load %arg12[%get3A_233, %get3A_234] {strides = array<i32>} : memref<80x128xf32, #tpu.memory_space<vmem>>, vector<1x16xf32>,
        %get3A_236 = vector.shape_cast %get3A_235 : vector<1x16xf32> to vector<16xf32>
        %add3A_237 = arith.addf %get3A_232, %get3A_236 : vector<16xf32>
        %swap3A_238 = arith.index_cast %scan3A_132 : i32 to index
        %swap3A_239 = arith.constant 112 : index
        %swap3A_240 = tpu.vector_load %arg11[%swap3A_238, %swap3A_239] {strides = array<i32>} : memref<80x128xf32, #tpu.memory_space<vmem>>, vector<1x16xf32>,
        %swap3A_241 = vector.shape_cast %swap3A_240 : vector<1x16xf32> to vector<16xf32>
        %swap3A_242 = vector.shape_cast %add3A_237 : vector<16xf32> to vector<1x16xf32>
        tpu.vector_store %arg11[%swap3A_238, %swap3A_239], %swap3A_242 {strides = array<i32>} : memref<80x128xf32, #tpu.memory_space<vmem>>, vector<1x16xf32>,
      }
      %scan3A_91 = arith.constant 80 : i32
      %mul3A_92 = arith.constant 80 : i32
      %mul3A_93 = arith.muli %mul3A_70, %mul3A_92 : i32
      %add3A_94 = arith.addi %mul3A_2, %mul3A_93 : i32
      %dma_start3A_95 = arith.constant 0 : i32
      %dma_start3A_96 = tpu.memref_slice %arg5[%add3A_94, %dma_start3A_95] : memref<320000x128xf32, #tpu.memory_space<hbm>> -> memref<80x128xf32, #tpu.memory_space<hbm>>
      %dma_start3A_97 = arith.constant 0 : i32
      %dma_start3A_98 = tpu.memref_slice %arg5[%add3A_94, %dma_start3A_97] : memref<320000x128xf32, #tpu.memory_space<hbm>> -> memref<80x128xf32, #tpu.memory_space<hbm>>
      tpu.enqueue_dma source(%arg11 : memref<80x128xf32, #tpu.memory_space<vmem>>) target(%dma_start3A_98 : memref<80x128xf32, #tpu.memory_space<hbm>>) target_semaphore(%arg19 : memref<!tpu.dma_semaphore, #tpu.memory_space<semaphore_mem>>)
      %mul3A_99 = arith.constant 2 : i32
      %mul3A_100 = arith.muli %mul3A_99, %scan3A_68 : i32
      %add3A_101 = arith.constant 1 : i32
      %add3A_102 = arith.addi %mul3A_100, %add3A_101 : i32
      %dma_wait3A_103 = arith.constant 0 : i32
      %dma_wait3A_104 = arith.constant 0 : i32
      %dma_wait3A_105 = tpu.memref_slice %arg6[%dma_wait3A_103, %dma_wait3A_104] : memref<10000x128xf32, #tpu.memory_space<vmem_shared>> -> memref<10000x128xf32, #tpu.memory_space<vmem_shared>>
      tpu.wait_indirect_dma semaphore(%arg17 : memref<!tpu.dma_semaphore, #tpu.memory_space<semaphore_mem>>) src(%dma_wait3A_105 : memref<10000x128xf32, #tpu.memory_space<vmem_shared>>) dst(%arg13 : memref<80x128xf32, #tpu.memory_space<vmem>>)
      %dma_wait3A_106 = arith.constant 0 : i32
      %dma_wait3A_107 = arith.constant 0 : i32
      %dma_wait3A_108 = tpu.memref_slice %arg6[%dma_wait3A_106, %dma_wait3A_107] : memref<10000x128xf32, #tpu.memory_space<vmem_shared>> -> memref<10000x128xf32, #tpu.memory_space<vmem_shared>>
      tpu.wait_indirect_dma semaphore(%arg18 : memref<!tpu.dma_semaphore, #tpu.memory_space<semaphore_mem>>) src(%dma_wait3A_108 : memref<10000x128xf32, #tpu.memory_space<vmem_shared>>) dst(%arg14 : memref<80x128xf32, #tpu.memory_space<vmem>>)
      %le3A_109 = arith.constant 122 : i32
      %le3A_110 = arith.cmpi sle, %add3A_102, %le3A_109 : i32
      %convert_element_type3A_111 = arith.extui %le3A_110 : i1 to i32
      %cond3A_112 = arith.constant 0 : i32
      %cond3A_113 = arith.cmpi ne, %convert_element_type3A_111, %cond3A_112 : i32
      scf.if %cond3A_113 {
        %add3A_132 = arith.constant 2 : i32
        %add3A_133 = arith.addi %add3A_102, %add3A_132 : i32
        %mul3A_134 = arith.constant 80 : i32
        %mul3A_135 = arith.muli %add3A_133, %mul3A_134 : i32
        %add3A_136 = arith.addi %mul3A_2, %mul3A_135 : i32
        %dma_start3A_137 = tpu.memref_slice %arg3[%add3A_136] : memref<320000xi32, #tpu.memory_space<hbm>> -> memref<80xi32, #tpu.memory_space<hbm>>
        %dma_start3A_138 = tpu.memref_slice %arg3[%add3A_136] : memref<320000xi32, #tpu.memory_space<hbm>> -> memref<80xi32, #tpu.memory_space<hbm>>
        tpu.enqueue_dma source(%dma_start3A_138 : memref<80xi32, #tpu.memory_space<hbm>>) target(%arg9 : memref<80xi32, #tpu.memory_space<vmem>>) target_semaphore(%arg22 : memref<!tpu.dma_semaphore, #tpu.memory_space<semaphore_mem>>)
        %dma_start3A_139 = tpu.memref_slice %arg4[%add3A_136] : memref<320000xi32, #tpu.memory_space<hbm>> -> memref<80xi32, #tpu.memory_space<hbm>>
        %dma_start3A_140 = tpu.memref_slice %arg4[%add3A_136] : memref<320000xi32, #tpu.memory_space<hbm>> -> memref<80xi32, #tpu.memory_space<hbm>>
        tpu.enqueue_dma source(%dma_start3A_140 : memref<80xi32, #tpu.memory_space<hbm>>) target(%arg10 : memref<80xi32, #tpu.memory_space<vmem>>) target_semaphore(%arg22 : memref<!tpu.dma_semaphore, #tpu.memory_space<semaphore_mem>>)
      } else {
      }
      %le3A_114 = arith.constant 123 : i32
      %le3A_115 = arith.cmpi sle, %add3A_102, %le3A_114 : i32
      %convert_element_type3A_116 = arith.extui %le3A_115 : i1 to i32
      %cond3A_117 = arith.constant 0 : i32
      %cond3A_118 = arith.cmpi ne, %convert_element_type3A_116, %cond3A_117 : i32
      scf.if %cond3A_118 {
        %ge3A = arith.constant 1 : i32
        %ge3A_132 = arith.cmpi sge, %add3A_102, %ge3A : i32
        %convert_element_type3A_133 = arith.extui %ge3A_132 : i1 to i32
        %cond3A_134 = arith.constant 0 : i32
        %cond3A_135 = arith.cmpi ne, %convert_element_type3A_133, %cond3A_134 : i32
        scf.if %cond3A_135 {
          %dma_wait3A_150 = arith.constant 0 : i32
          %dma_wait3A_151 = arith.constant 0 : i32
          %dma_wait3A_152 = tpu.memref_slice %arg5[%dma_wait3A_150, %dma_wait3A_151] : memref<320000x128xf32, #tpu.memory_space<hbm>> -> memref<80x128xf32, #tpu.memory_space<hbm>>
          %dma_wait3A_153 = arith.constant 0 : i32
          %dma_wait3A_154 = arith.constant 0 : i32
          %dma_wait3A_155 = tpu.memref_slice %arg5[%dma_wait3A_153, %dma_wait3A_154] : memref<320000x128xf32, #tpu.memory_space<hbm>> -> memref<80x128xf32, #tpu.memory_space<hbm>>
          tpu.wait_dma2 semaphore(%arg19 : memref<!tpu.dma_semaphore, #tpu.memory_space<semaphore_mem>>) src(%arg11 : memref<80x128xf32, #tpu.memory_space<vmem>>) dst(%dma_wait3A_155 : memref<80x128xf32, #tpu.memory_space<hbm>>)
        } else {
        }
        %dma_wait3A_136 = arith.constant 0 : i32
        %dma_wait3A_137 = tpu.memref_slice %arg3[%dma_wait3A_136] : memref<320000xi32, #tpu.memory_space<hbm>> -> memref<80xi32, #tpu.memory_space<hbm>>
        %dma_wait3A_138 = arith.constant 0 : i32
        %dma_wait3A_139 = tpu.memref_slice %arg3[%dma_wait3A_138] : memref<320000xi32, #tpu.memory_space<hbm>> -> memref<80xi32, #tpu.memory_space<hbm>>
        tpu.wait_dma2 semaphore(%arg21 : memref<!tpu.dma_semaphore, #tpu.memory_space<semaphore_mem>>) src(%dma_wait3A_139 : memref<80xi32, #tpu.memory_space<hbm>>) dst(%arg7 : memref<80xi32, #tpu.memory_space<vmem>>)
        %dma_wait3A_140 = arith.constant 0 : i32
        %dma_wait3A_141 = tpu.memref_slice %arg4[%dma_wait3A_140] : memref<320000xi32, #tpu.memory_space<hbm>> -> memref<80xi32, #tpu.memory_space<hbm>>
        %dma_wait3A_142 = arith.constant 0 : i32
        %dma_wait3A_143 = tpu.memref_slice %arg4[%dma_wait3A_142] : memref<320000xi32, #tpu.memory_space<hbm>> -> memref<80xi32, #tpu.memory_space<hbm>>
        tpu.wait_dma2 semaphore(%arg21 : memref<!tpu.dma_semaphore, #tpu.memory_space<semaphore_mem>>) src(%dma_wait3A_143 : memref<80xi32, #tpu.memory_space<hbm>>) dst(%arg8 : memref<80xi32, #tpu.memory_space<vmem>>)
        %dma_start3A_144 = arith.constant 0 : i32
        %dma_start3A_145 = arith.constant 0 : i32
        %dma_start3A_146 = tpu.memref_slice %arg6[%dma_start3A_144, %dma_start3A_145] : memref<10000x128xf32, #tpu.memory_space<vmem_shared>> -> memref<10000x128xf32, #tpu.memory_space<vmem_shared>>
        tpu.enqueue_indirect_dma source(%dma_start3A_146 : memref<10000x128xf32, #tpu.memory_space<vmem_shared>>) target(%arg11 : memref<80x128xf32, #tpu.memory_space<vmem>>) offsets(%arg7 : memref<80xi32, #tpu.memory_space<vmem>>) semaphore(%arg15 : memref<!tpu.dma_semaphore, #tpu.memory_space<semaphore_mem>>)
        %dma_start3A_147 = arith.constant 0 : i32
        %dma_start3A_148 = arith.constant 0 : i32
        %dma_start3A_149 = tpu.memref_slice %arg6[%dma_start3A_147, %dma_start3A_148] : memref<10000x128xf32, #tpu.memory_space<vmem_shared>> -> memref<10000x128xf32, #tpu.memory_space<vmem_shared>>
        tpu.enqueue_indirect_dma source(%dma_start3A_149 : memref<10000x128xf32, #tpu.memory_space<vmem_shared>>) target(%arg12 : memref<80x128xf32, #tpu.memory_space<vmem>>) offsets(%arg8 : memref<80xi32, #tpu.memory_space<vmem>>) semaphore(%arg16 : memref<!tpu.dma_semaphore, #tpu.memory_space<semaphore_mem>>)
      } else {
      }
      %scan3A_119 = arith.constant 0 : i32
      %scan3A_120 = arith.constant 0 : i32
      %scan3A_121 = arith.constant 80 : i32
      %scan3A_122 = arith.addi %scan3A_120, %scan3A_121 : i32
      %scan3A_123 = arith.constant 1 : i32
      scf.for %scan3A_132 = %scan3A_120 to %scan3A_122 step %scan3A_123  : i32 {
        %get3A = arith.index_cast %scan3A_132 : i32 to index
        %get3A_133 = arith.constant 0 : index
        %get3A_134 = tpu.vector_load %arg13[%get3A, %get3A_133] {strides = array<i32>} : memref<80x128xf32, #tpu.memory_space<vmem>>, vector<1x16xf32>,
        %get3A_135 = vector.shape_cast %get3A_134 : vector<1x16xf32> to vector<16xf32>
        %get3A_136 = arith.index_cast %scan3A_132 : i32 to index
        %get3A_137 = arith.constant 0 : index
        %get3A_138 = tpu.vector_load %arg14[%get3A_136, %get3A_137] {strides = array<i32>} : memref<80x128xf32, #tpu.memory_space<vmem>>, vector<1x16xf32>,
        %get3A_139 = vector.shape_cast %get3A_138 : vector<1x16xf32> to vector<16xf32>
        %add3A_140 = arith.addf %get3A_135, %get3A_139 : vector<16xf32>
        %swap3A = arith.index_cast %scan3A_132 : i32 to index
        %swap3A_141 = arith.constant 0 : index
        %swap3A_142 = tpu.vector_load %arg13[%swap3A, %swap3A_141] {strides = array<i32>} : memref<80x128xf32, #tpu.memory_space<vmem>>, vector<1x16xf32>,
        %swap3A_143 = vector.shape_cast %swap3A_142 : vector<1x16xf32> to vector<16xf32>
        %swap3A_144 = vector.shape_cast %add3A_140 : vector<16xf32> to vector<1x16xf32>
        tpu.vector_store %arg13[%swap3A, %swap3A_141], %swap3A_144 {strides = array<i32>} : memref<80x128xf32, #tpu.memory_space<vmem>>, vector<1x16xf32>,
        %get3A_145 = arith.index_cast %scan3A_132 : i32 to index
        %get3A_146 = arith.constant 16 : index
        %get3A_147 = tpu.vector_load %arg13[%get3A_145, %get3A_146] {strides = array<i32>} : memref<80x128xf32, #tpu.memory_space<vmem>>, vector<1x16xf32>,
        %get3A_148 = vector.shape_cast %get3A_147 : vector<1x16xf32> to vector<16xf32>
        %get3A_149 = arith.index_cast %scan3A_132 : i32 to index
        %get3A_150 = arith.constant 16 : index
        %get3A_151 = tpu.vector_load %arg14[%get3A_149, %get3A_150] {strides = array<i32>} : memref<80x128xf32, #tpu.memory_space<vmem>>, vector<1x16xf32>,
        %get3A_152 = vector.shape_cast %get3A_151 : vector<1x16xf32> to vector<16xf32>
        %add3A_153 = arith.addf %get3A_148, %get3A_152 : vector<16xf32>
        %swap3A_154 = arith.index_cast %scan3A_132 : i32 to index
        %swap3A_155 = arith.constant 16 : index
        %swap3A_156 = tpu.vector_load %arg13[%swap3A_154, %swap3A_155] {strides = array<i32>} : memref<80x128xf32, #tpu.memory_space<vmem>>, vector<1x16xf32>,
        %swap3A_157 = vector.shape_cast %swap3A_156 : vector<1x16xf32> to vector<16xf32>
        %swap3A_158 = vector.shape_cast %add3A_153 : vector<16xf32> to vector<1x16xf32>
        tpu.vector_store %arg13[%swap3A_154, %swap3A_155], %swap3A_158 {strides = array<i32>} : memref<80x128xf32, #tpu.memory_space<vmem>>, vector<1x16xf32>,
        %get3A_159 = arith.index_cast %scan3A_132 : i32 to index
        %get3A_160 = arith.constant 32 : index
        %get3A_161 = tpu.vector_load %arg13[%get3A_159, %get3A_160] {strides = array<i32>} : memref<80x128xf32, #tpu.memory_space<vmem>>, vector<1x16xf32>,
        %get3A_162 = vector.shape_cast %get3A_161 : vector<1x16xf32> to vector<16xf32>
        %get3A_163 = arith.index_cast %scan3A_132 : i32 to index
        %get3A_164 = arith.constant 32 : index
        %get3A_165 = tpu.vector_load %arg14[%get3A_163, %get3A_164] {strides = array<i32>} : memref<80x128xf32, #tpu.memory_space<vmem>>, vector<1x16xf32>,
        %get3A_166 = vector.shape_cast %get3A_165 : vector<1x16xf32> to vector<16xf32>
        %add3A_167 = arith.addf %get3A_162, %get3A_166 : vector<16xf32>
        %swap3A_168 = arith.index_cast %scan3A_132 : i32 to index
        %swap3A_169 = arith.constant 32 : index
        %swap3A_170 = tpu.vector_load %arg13[%swap3A_168, %swap3A_169] {strides = array<i32>} : memref<80x128xf32, #tpu.memory_space<vmem>>, vector<1x16xf32>,
        %swap3A_171 = vector.shape_cast %swap3A_170 : vector<1x16xf32> to vector<16xf32>
        %swap3A_172 = vector.shape_cast %add3A_167 : vector<16xf32> to vector<1x16xf32>
        tpu.vector_store %arg13[%swap3A_168, %swap3A_169], %swap3A_172 {strides = array<i32>} : memref<80x128xf32, #tpu.memory_space<vmem>>, vector<1x16xf32>,
        %get3A_173 = arith.index_cast %scan3A_132 : i32 to index
        %get3A_174 = arith.constant 48 : index
        %get3A_175 = tpu.vector_load %arg13[%get3A_173, %get3A_174] {strides = array<i32>} : memref<80x128xf32, #tpu.memory_space<vmem>>, vector<1x16xf32>,
        %get3A_176 = vector.shape_cast %get3A_175 : vector<1x16xf32> to vector<16xf32>
        %get3A_177 = arith.index_cast %scan3A_132 : i32 to index
        %get3A_178 = arith.constant 48 : index
        %get3A_179 = tpu.vector_load %arg14[%get3A_177, %get3A_178] {strides = array<i32>} : memref<80x128xf32, #tpu.memory_space<vmem>>, vector<1x16xf32>,
        %get3A_180 = vector.shape_cast %get3A_179 : vector<1x16xf32> to vector<16xf32>
        %add3A_181 = arith.addf %get3A_176, %get3A_180 : vector<16xf32>
        %swap3A_182 = arith.index_cast %scan3A_132 : i32 to index
        %swap3A_183 = arith.constant 48 : index
        %swap3A_184 = tpu.vector_load %arg13[%swap3A_182, %swap3A_183] {strides = array<i32>} : memref<80x128xf32, #tpu.memory_space<vmem>>, vector<1x16xf32>,
        %swap3A_185 = vector.shape_cast %swap3A_184 : vector<1x16xf32> to vector<16xf32>
        %swap3A_186 = vector.shape_cast %add3A_181 : vector<16xf32> to vector<1x16xf32>
        tpu.vector_store %arg13[%swap3A_182, %swap3A_183], %swap3A_186 {strides = array<i32>} : memref<80x128xf32, #tpu.memory_space<vmem>>, vector<1x16xf32>,
        %get3A_187 = arith.index_cast %scan3A_132 : i32 to index
        %get3A_188 = arith.constant 64 : index
        %get3A_189 = tpu.vector_load %arg13[%get3A_187, %get3A_188] {strides = array<i32>} : memref<80x128xf32, #tpu.memory_space<vmem>>, vector<1x16xf32>,
        %get3A_190 = vector.shape_cast %get3A_189 : vector<1x16xf32> to vector<16xf32>
        %get3A_191 = arith.index_cast %scan3A_132 : i32 to index
        %get3A_192 = arith.constant 64 : index
        %get3A_193 = tpu.vector_load %arg14[%get3A_191, %get3A_192] {strides = array<i32>} : memref<80x128xf32, #tpu.memory_space<vmem>>, vector<1x16xf32>,
        %get3A_194 = vector.shape_cast %get3A_193 : vector<1x16xf32> to vector<16xf32>
        %add3A_195 = arith.addf %get3A_190, %get3A_194 : vector<16xf32>
        %swap3A_196 = arith.index_cast %scan3A_132 : i32 to index
        %swap3A_197 = arith.constant 64 : index
        %swap3A_198 = tpu.vector_load %arg13[%swap3A_196, %swap3A_197] {strides = array<i32>} : memref<80x128xf32, #tpu.memory_space<vmem>>, vector<1x16xf32>,
        %swap3A_199 = vector.shape_cast %swap3A_198 : vector<1x16xf32> to vector<16xf32>
        %swap3A_200 = vector.shape_cast %add3A_195 : vector<16xf32> to vector<1x16xf32>
        tpu.vector_store %arg13[%swap3A_196, %swap3A_197], %swap3A_200 {strides = array<i32>} : memref<80x128xf32, #tpu.memory_space<vmem>>, vector<1x16xf32>,
        %get3A_201 = arith.index_cast %scan3A_132 : i32 to index
        %get3A_202 = arith.constant 80 : index
        %get3A_203 = tpu.vector_load %arg13[%get3A_201, %get3A_202] {strides = array<i32>} : memref<80x128xf32, #tpu.memory_space<vmem>>, vector<1x16xf32>,
        %get3A_204 = vector.shape_cast %get3A_203 : vector<1x16xf32> to vector<16xf32>
        %get3A_205 = arith.index_cast %scan3A_132 : i32 to index
        %get3A_206 = arith.constant 80 : index
        %get3A_207 = tpu.vector_load %arg14[%get3A_205, %get3A_206] {strides = array<i32>} : memref<80x128xf32, #tpu.memory_space<vmem>>, vector<1x16xf32>,
        %get3A_208 = vector.shape_cast %get3A_207 : vector<1x16xf32> to vector<16xf32>
        %add3A_209 = arith.addf %get3A_204, %get3A_208 : vector<16xf32>
        %swap3A_210 = arith.index_cast %scan3A_132 : i32 to index
        %swap3A_211 = arith.constant 80 : index
        %swap3A_212 = tpu.vector_load %arg13[%swap3A_210, %swap3A_211] {strides = array<i32>} : memref<80x128xf32, #tpu.memory_space<vmem>>, vector<1x16xf32>,
        %swap3A_213 = vector.shape_cast %swap3A_212 : vector<1x16xf32> to vector<16xf32>
        %swap3A_214 = vector.shape_cast %add3A_209 : vector<16xf32> to vector<1x16xf32>
        tpu.vector_store %arg13[%swap3A_210, %swap3A_211], %swap3A_214 {strides = array<i32>} : memref<80x128xf32, #tpu.memory_space<vmem>>, vector<1x16xf32>,
        %get3A_215 = arith.index_cast %scan3A_132 : i32 to index
        %get3A_216 = arith.constant 96 : index
        %get3A_217 = tpu.vector_load %arg13[%get3A_215, %get3A_216] {strides = array<i32>} : memref<80x128xf32, #tpu.memory_space<vmem>>, vector<1x16xf32>,
        %get3A_218 = vector.shape_cast %get3A_217 : vector<1x16xf32> to vector<16xf32>
        %get3A_219 = arith.index_cast %scan3A_132 : i32 to index
        %get3A_220 = arith.constant 96 : index
        %get3A_221 = tpu.vector_load %arg14[%get3A_219, %get3A_220] {strides = array<i32>} : memref<80x128xf32, #tpu.memory_space<vmem>>, vector<1x16xf32>,
        %get3A_222 = vector.shape_cast %get3A_221 : vector<1x16xf32> to vector<16xf32>
        %add3A_223 = arith.addf %get3A_218, %get3A_222 : vector<16xf32>
        %swap3A_224 = arith.index_cast %scan3A_132 : i32 to index
        %swap3A_225 = arith.constant 96 : index
        %swap3A_226 = tpu.vector_load %arg13[%swap3A_224, %swap3A_225] {strides = array<i32>} : memref<80x128xf32, #tpu.memory_space<vmem>>, vector<1x16xf32>,
        %swap3A_227 = vector.shape_cast %swap3A_226 : vector<1x16xf32> to vector<16xf32>
        %swap3A_228 = vector.shape_cast %add3A_223 : vector<16xf32> to vector<1x16xf32>
        tpu.vector_store %arg13[%swap3A_224, %swap3A_225], %swap3A_228 {strides = array<i32>} : memref<80x128xf32, #tpu.memory_space<vmem>>, vector<1x16xf32>,
        %get3A_229 = arith.index_cast %scan3A_132 : i32 to index
        %get3A_230 = arith.constant 112 : index
        %get3A_231 = tpu.vector_load %arg13[%get3A_229, %get3A_230] {strides = array<i32>} : memref<80x128xf32, #tpu.memory_space<vmem>>, vector<1x16xf32>,
        %get3A_232 = vector.shape_cast %get3A_231 : vector<1x16xf32> to vector<16xf32>
        %get3A_233 = arith.index_cast %scan3A_132 : i32 to index
        %get3A_234 = arith.constant 112 : index
        %get3A_235 = tpu.vector_load %arg14[%get3A_233, %get3A_234] {strides = array<i32>} : memref<80x128xf32, #tpu.memory_space<vmem>>, vector<1x16xf32>,
        %get3A_236 = vector.shape_cast %get3A_235 : vector<1x16xf32> to vector<16xf32>
        %add3A_237 = arith.addf %get3A_232, %get3A_236 : vector<16xf32>
        %swap3A_238 = arith.index_cast %scan3A_132 : i32 to index
        %swap3A_239 = arith.constant 112 : index
        %swap3A_240 = tpu.vector_load %arg13[%swap3A_238, %swap3A_239] {strides = array<i32>} : memref<80x128xf32, #tpu.memory_space<vmem>>, vector<1x16xf32>,
        %swap3A_241 = vector.shape_cast %swap3A_240 : vector<1x16xf32> to vector<16xf32>
        %swap3A_242 = vector.shape_cast %add3A_237 : vector<16xf32> to vector<1x16xf32>
        tpu.vector_store %arg13[%swap3A_238, %swap3A_239], %swap3A_242 {strides = array<i32>} : memref<80x128xf32, #tpu.memory_space<vmem>>, vector<1x16xf32>,
      }
      %scan3A_124 = arith.constant 80 : i32
      %mul3A_125 = arith.constant 80 : i32
      %mul3A_126 = arith.muli %add3A_102, %mul3A_125 : i32
      %add3A_127 = arith.addi %mul3A_2, %mul3A_126 : i32
      %dma_start3A_128 = arith.constant 0 : i32
      %dma_start3A_129 = tpu.memref_slice %arg5[%add3A_127, %dma_start3A_128] : memref<320000x128xf32, #tpu.memory_space<hbm>> -> memref<80x128xf32, #tpu.memory_space<hbm>>
      %dma_start3A_130 = arith.constant 0 : i32
      %dma_start3A_131 = tpu.memref_slice %arg5[%add3A_127, %dma_start3A_130] : memref<320000x128xf32, #tpu.memory_space<hbm>> -> memref<80x128xf32, #tpu.memory_space<hbm>>
      tpu.enqueue_dma source(%arg13 : memref<80x128xf32, #tpu.memory_space<vmem>>) target(%dma_start3A_131 : memref<80x128xf32, #tpu.memory_space<hbm>>) target_semaphore(%arg20 : memref<!tpu.dma_semaphore, #tpu.memory_space<semaphore_mem>>)
    }
    %scan3A_37 = arith.constant 62 : i32
    %dma_wait3A_38 = arith.constant 0 : i32
    %dma_wait3A_39 = arith.constant 0 : i32
    %dma_wait3A_40 = tpu.memref_slice %arg6[%dma_wait3A_38, %dma_wait3A_39] : memref<10000x128xf32, #tpu.memory_space<vmem_shared>> -> memref<10000x128xf32, #tpu.memory_space<vmem_shared>>
    tpu.wait_indirect_dma semaphore(%arg15 : memref<!tpu.dma_semaphore, #tpu.memory_space<semaphore_mem>>) src(%dma_wait3A_40 : memref<10000x128xf32, #tpu.memory_space<vmem_shared>>) dst(%arg11 : memref<80x128xf32, #tpu.memory_space<vmem>>)
    %dma_wait3A_41 = arith.constant 0 : i32
    %dma_wait3A_42 = arith.constant 0 : i32
    %dma_wait3A_43 = tpu.memref_slice %arg6[%dma_wait3A_41, %dma_wait3A_42] : memref<10000x128xf32, #tpu.memory_space<vmem_shared>> -> memref<10000x128xf32, #tpu.memory_space<vmem_shared>>
    tpu.wait_indirect_dma semaphore(%arg16 : memref<!tpu.dma_semaphore, #tpu.memory_space<semaphore_mem>>) src(%dma_wait3A_43 : memref<10000x128xf32, #tpu.memory_space<vmem_shared>>) dst(%arg12 : memref<80x128xf32, #tpu.memory_space<vmem>>)
    %scan3A_44 = arith.constant 0 : i32
    %scan3A_45 = arith.constant 0 : i32
    %scan3A_46 = arith.constant 80 : i32
    %scan3A_47 = arith.addi %scan3A_45, %scan3A_46 : i32
    %scan3A_48 = arith.constant 1 : i32
    scf.for %scan3A_68 = %scan3A_45 to %scan3A_47 step %scan3A_48  : i32 {
      %get3A = arith.index_cast %scan3A_68 : i32 to index
      %get3A_69 = arith.constant 0 : index
      %get3A_70 = tpu.vector_load %arg11[%get3A, %get3A_69] {strides = array<i32>} : memref<80x128xf32, #tpu.memory_space<vmem>>, vector<1x16xf32>,
      %get3A_71 = vector.shape_cast %get3A_70 : vector<1x16xf32> to vector<16xf32>
      %get3A_72 = arith.index_cast %scan3A_68 : i32 to index
      %get3A_73 = arith.constant 0 : index
      %get3A_74 = tpu.vector_load %arg12[%get3A_72, %get3A_73] {strides = array<i32>} : memref<80x128xf32, #tpu.memory_space<vmem>>, vector<1x16xf32>,
      %get3A_75 = vector.shape_cast %get3A_74 : vector<1x16xf32> to vector<16xf32>
      %add3A_76 = arith.addf %get3A_71, %get3A_75 : vector<16xf32>
      %swap3A = arith.index_cast %scan3A_68 : i32 to index
      %swap3A_77 = arith.constant 0 : index
      %swap3A_78 = tpu.vector_load %arg11[%swap3A, %swap3A_77] {strides = array<i32>} : memref<80x128xf32, #tpu.memory_space<vmem>>, vector<1x16xf32>,
      %swap3A_79 = vector.shape_cast %swap3A_78 : vector<1x16xf32> to vector<16xf32>
      %swap3A_80 = vector.shape_cast %add3A_76 : vector<16xf32> to vector<1x16xf32>
      tpu.vector_store %arg11[%swap3A, %swap3A_77], %swap3A_80 {strides = array<i32>} : memref<80x128xf32, #tpu.memory_space<vmem>>, vector<1x16xf32>,
      %get3A_81 = arith.index_cast %scan3A_68 : i32 to index
      %get3A_82 = arith.constant 16 : index
      %get3A_83 = tpu.vector_load %arg11[%get3A_81, %get3A_82] {strides = array<i32>} : memref<80x128xf32, #tpu.memory_space<vmem>>, vector<1x16xf32>,
      %get3A_84 = vector.shape_cast %get3A_83 : vector<1x16xf32> to vector<16xf32>
      %get3A_85 = arith.index_cast %scan3A_68 : i32 to index
      %get3A_86 = arith.constant 16 : index
      %get3A_87 = tpu.vector_load %arg12[%get3A_85, %get3A_86] {strides = array<i32>} : memref<80x128xf32, #tpu.memory_space<vmem>>, vector<1x16xf32>,
      %get3A_88 = vector.shape_cast %get3A_87 : vector<1x16xf32> to vector<16xf32>
      %add3A_89 = arith.addf %get3A_84, %get3A_88 : vector<16xf32>
      %swap3A_90 = arith.index_cast %scan3A_68 : i32 to index
      %swap3A_91 = arith.constant 16 : index
      %swap3A_92 = tpu.vector_load %arg11[%swap3A_90, %swap3A_91] {strides = array<i32>} : memref<80x128xf32, #tpu.memory_space<vmem>>, vector<1x16xf32>,
      %swap3A_93 = vector.shape_cast %swap3A_92 : vector<1x16xf32> to vector<16xf32>
      %swap3A_94 = vector.shape_cast %add3A_89 : vector<16xf32> to vector<1x16xf32>
      tpu.vector_store %arg11[%swap3A_90, %swap3A_91], %swap3A_94 {strides = array<i32>} : memref<80x128xf32, #tpu.memory_space<vmem>>, vector<1x16xf32>,
      %get3A_95 = arith.index_cast %scan3A_68 : i32 to index
      %get3A_96 = arith.constant 32 : index
      %get3A_97 = tpu.vector_load %arg11[%get3A_95, %get3A_96] {strides = array<i32>} : memref<80x128xf32, #tpu.memory_space<vmem>>, vector<1x16xf32>,
      %get3A_98 = vector.shape_cast %get3A_97 : vector<1x16xf32> to vector<16xf32>
      %get3A_99 = arith.index_cast %scan3A_68 : i32 to index
      %get3A_100 = arith.constant 32 : index
      %get3A_101 = tpu.vector_load %arg12[%get3A_99, %get3A_100] {strides = array<i32>} : memref<80x128xf32, #tpu.memory_space<vmem>>, vector<1x16xf32>,
      %get3A_102 = vector.shape_cast %get3A_101 : vector<1x16xf32> to vector<16xf32>
      %add3A_103 = arith.addf %get3A_98, %get3A_102 : vector<16xf32>
      %swap3A_104 = arith.index_cast %scan3A_68 : i32 to index
      %swap3A_105 = arith.constant 32 : index
      %swap3A_106 = tpu.vector_load %arg11[%swap3A_104, %swap3A_105] {strides = array<i32>} : memref<80x128xf32, #tpu.memory_space<vmem>>, vector<1x16xf32>,
      %swap3A_107 = vector.shape_cast %swap3A_106 : vector<1x16xf32> to vector<16xf32>
      %swap3A_108 = vector.shape_cast %add3A_103 : vector<16xf32> to vector<1x16xf32>
      tpu.vector_store %arg11[%swap3A_104, %swap3A_105], %swap3A_108 {strides = array<i32>} : memref<80x128xf32, #tpu.memory_space<vmem>>, vector<1x16xf32>,
      %get3A_109 = arith.index_cast %scan3A_68 : i32 to index
      %get3A_110 = arith.constant 48 : index
      %get3A_111 = tpu.vector_load %arg11[%get3A_109, %get3A_110] {strides = array<i32>} : memref<80x128xf32, #tpu.memory_space<vmem>>, vector<1x16xf32>,
      %get3A_112 = vector.shape_cast %get3A_111 : vector<1x16xf32> to vector<16xf32>
      %get3A_113 = arith.index_cast %scan3A_68 : i32 to index
      %get3A_114 = arith.constant 48 : index
      %get3A_115 = tpu.vector_load %arg12[%get3A_113, %get3A_114] {strides = array<i32>} : memref<80x128xf32, #tpu.memory_space<vmem>>, vector<1x16xf32>,
      %get3A_116 = vector.shape_cast %get3A_115 : vector<1x16xf32> to vector<16xf32>
      %add3A_117 = arith.addf %get3A_112, %get3A_116 : vector<16xf32>
      %swap3A_118 = arith.index_cast %scan3A_68 : i32 to index
      %swap3A_119 = arith.constant 48 : index
      %swap3A_120 = tpu.vector_load %arg11[%swap3A_118, %swap3A_119] {strides = array<i32>} : memref<80x128xf32, #tpu.memory_space<vmem>>, vector<1x16xf32>,
      %swap3A_121 = vector.shape_cast %swap3A_120 : vector<1x16xf32> to vector<16xf32>
      %swap3A_122 = vector.shape_cast %add3A_117 : vector<16xf32> to vector<1x16xf32>
      tpu.vector_store %arg11[%swap3A_118, %swap3A_119], %swap3A_122 {strides = array<i32>} : memref<80x128xf32, #tpu.memory_space<vmem>>, vector<1x16xf32>,
      %get3A_123 = arith.index_cast %scan3A_68 : i32 to index
      %get3A_124 = arith.constant 64 : index
      %get3A_125 = tpu.vector_load %arg11[%get3A_123, %get3A_124] {strides = array<i32>} : memref<80x128xf32, #tpu.memory_space<vmem>>, vector<1x16xf32>,
      %get3A_126 = vector.shape_cast %get3A_125 : vector<1x16xf32> to vector<16xf32>
      %get3A_127 = arith.index_cast %scan3A_68 : i32 to index
      %get3A_128 = arith.constant 64 : index
      %get3A_129 = tpu.vector_load %arg12[%get3A_127, %get3A_128] {strides = array<i32>} : memref<80x128xf32, #tpu.memory_space<vmem>>, vector<1x16xf32>,
      %get3A_130 = vector.shape_cast %get3A_129 : vector<1x16xf32> to vector<16xf32>
      %add3A_131 = arith.addf %get3A_126, %get3A_130 : vector<16xf32>
      %swap3A_132 = arith.index_cast %scan3A_68 : i32 to index
      %swap3A_133 = arith.constant 64 : index
      %swap3A_134 = tpu.vector_load %arg11[%swap3A_132, %swap3A_133] {strides = array<i32>} : memref<80x128xf32, #tpu.memory_space<vmem>>, vector<1x16xf32>,
      %swap3A_135 = vector.shape_cast %swap3A_134 : vector<1x16xf32> to vector<16xf32>
      %swap3A_136 = vector.shape_cast %add3A_131 : vector<16xf32> to vector<1x16xf32>
      tpu.vector_store %arg11[%swap3A_132, %swap3A_133], %swap3A_136 {strides = array<i32>} : memref<80x128xf32, #tpu.memory_space<vmem>>, vector<1x16xf32>,
      %get3A_137 = arith.index_cast %scan3A_68 : i32 to index
      %get3A_138 = arith.constant 80 : index
      %get3A_139 = tpu.vector_load %arg11[%get3A_137, %get3A_138] {strides = array<i32>} : memref<80x128xf32, #tpu.memory_space<vmem>>, vector<1x16xf32>,
      %get3A_140 = vector.shape_cast %get3A_139 : vector<1x16xf32> to vector<16xf32>
      %get3A_141 = arith.index_cast %scan3A_68 : i32 to index
      %get3A_142 = arith.constant 80 : index
      %get3A_143 = tpu.vector_load %arg12[%get3A_141, %get3A_142] {strides = array<i32>} : memref<80x128xf32, #tpu.memory_space<vmem>>, vector<1x16xf32>,
      %get3A_144 = vector.shape_cast %get3A_143 : vector<1x16xf32> to vector<16xf32>
      %add3A_145 = arith.addf %get3A_140, %get3A_144 : vector<16xf32>
      %swap3A_146 = arith.index_cast %scan3A_68 : i32 to index
      %swap3A_147 = arith.constant 80 : index
      %swap3A_148 = tpu.vector_load %arg11[%swap3A_146, %swap3A_147] {strides = array<i32>} : memref<80x128xf32, #tpu.memory_space<vmem>>, vector<1x16xf32>,
      %swap3A_149 = vector.shape_cast %swap3A_148 : vector<1x16xf32> to vector<16xf32>
      %swap3A_150 = vector.shape_cast %add3A_145 : vector<16xf32> to vector<1x16xf32>
      tpu.vector_store %arg11[%swap3A_146, %swap3A_147], %swap3A_150 {strides = array<i32>} : memref<80x128xf32, #tpu.memory_space<vmem>>, vector<1x16xf32>,
      %get3A_151 = arith.index_cast %scan3A_68 : i32 to index
      %get3A_152 = arith.constant 96 : index
      %get3A_153 = tpu.vector_load %arg11[%get3A_151, %get3A_152] {strides = array<i32>} : memref<80x128xf32, #tpu.memory_space<vmem>>, vector<1x16xf32>,
      %get3A_154 = vector.shape_cast %get3A_153 : vector<1x16xf32> to vector<16xf32>
      %get3A_155 = arith.index_cast %scan3A_68 : i32 to index
      %get3A_156 = arith.constant 96 : index
      %get3A_157 = tpu.vector_load %arg12[%get3A_155, %get3A_156] {strides = array<i32>} : memref<80x128xf32, #tpu.memory_space<vmem>>, vector<1x16xf32>,
      %get3A_158 = vector.shape_cast %get3A_157 : vector<1x16xf32> to vector<16xf32>
      %add3A_159 = arith.addf %get3A_154, %get3A_158 : vector<16xf32>
      %swap3A_160 = arith.index_cast %scan3A_68 : i32 to index
      %swap3A_161 = arith.constant 96 : index
      %swap3A_162 = tpu.vector_load %arg11[%swap3A_160, %swap3A_161] {strides = array<i32>} : memref<80x128xf32, #tpu.memory_space<vmem>>, vector<1x16xf32>,
      %swap3A_163 = vector.shape_cast %swap3A_162 : vector<1x16xf32> to vector<16xf32>
      %swap3A_164 = vector.shape_cast %add3A_159 : vector<16xf32> to vector<1x16xf32>
      tpu.vector_store %arg11[%swap3A_160, %swap3A_161], %swap3A_164 {strides = array<i32>} : memref<80x128xf32, #tpu.memory_space<vmem>>, vector<1x16xf32>,
      %get3A_165 = arith.index_cast %scan3A_68 : i32 to index
      %get3A_166 = arith.constant 112 : index
      %get3A_167 = tpu.vector_load %arg11[%get3A_165, %get3A_166] {strides = array<i32>} : memref<80x128xf32, #tpu.memory_space<vmem>>, vector<1x16xf32>,
      %get3A_168 = vector.shape_cast %get3A_167 : vector<1x16xf32> to vector<16xf32>
      %get3A_169 = arith.index_cast %scan3A_68 : i32 to index
      %get3A_170 = arith.constant 112 : index
      %get3A_171 = tpu.vector_load %arg12[%get3A_169, %get3A_170] {strides = array<i32>} : memref<80x128xf32, #tpu.memory_space<vmem>>, vector<1x16xf32>,
      %get3A_172 = vector.shape_cast %get3A_171 : vector<1x16xf32> to vector<16xf32>
      %add3A_173 = arith.addf %get3A_168, %get3A_172 : vector<16xf32>
      %swap3A_174 = arith.index_cast %scan3A_68 : i32 to index
      %swap3A_175 = arith.constant 112 : index
      %swap3A_176 = tpu.vector_load %arg11[%swap3A_174, %swap3A_175] {strides = array<i32>} : memref<80x128xf32, #tpu.memory_space<vmem>>, vector<1x16xf32>,
      %swap3A_177 = vector.shape_cast %swap3A_176 : vector<1x16xf32> to vector<16xf32>
      %swap3A_178 = vector.shape_cast %add3A_173 : vector<16xf32> to vector<1x16xf32>
      tpu.vector_store %arg11[%swap3A_174, %swap3A_175], %swap3A_178 {strides = array<i32>} : memref<80x128xf32, #tpu.memory_space<vmem>>, vector<1x16xf32>,
    }
    %scan3A_49 = arith.constant 80 : i32
    %add3A_50 = arith.constant 9920 : i32
    %add3A_51 = arith.addi %mul3A_2, %add3A_50 : i32
    %dma_start3A_52 = arith.constant 0 : i32
    %dma_start3A_53 = tpu.memref_slice %arg5[%add3A_51, %dma_start3A_52] : memref<320000x128xf32, #tpu.memory_space<hbm>> -> memref<80x128xf32, #tpu.memory_space<hbm>>
    %dma_start3A_54 = arith.constant 0 : i32
    %dma_start3A_55 = tpu.memref_slice %arg5[%add3A_51, %dma_start3A_54] : memref<320000x128xf32, #tpu.memory_space<hbm>> -> memref<80x128xf32, #tpu.memory_space<hbm>>
    tpu.enqueue_dma source(%arg11 : memref<80x128xf32, #tpu.memory_space<vmem>>) target(%dma_start3A_55 : memref<80x128xf32, #tpu.memory_space<hbm>>) target_semaphore(%arg19 : memref<!tpu.dma_semaphore, #tpu.memory_space<semaphore_mem>>)
    %dma_wait3A_56 = arith.constant 0 : i32
    %dma_wait3A_57 = arith.constant 0 : i32
    %dma_wait3A_58 = tpu.memref_slice %arg5[%dma_wait3A_56, %dma_wait3A_57] : memref<320000x128xf32, #tpu.memory_space<hbm>> -> memref<80x128xf32, #tpu.memory_space<hbm>>
    %dma_wait3A_59 = arith.constant 0 : i32
    %dma_wait3A_60 = arith.constant 0 : i32
    %dma_wait3A_61 = tpu.memref_slice %arg5[%dma_wait3A_59, %dma_wait3A_60] : memref<320000x128xf32, #tpu.memory_space<hbm>> -> memref<80x128xf32, #tpu.memory_space<hbm>>
    tpu.wait_dma2 semaphore(%arg19 : memref<!tpu.dma_semaphore, #tpu.memory_space<semaphore_mem>>) src(%arg11 : memref<80x128xf32, #tpu.memory_space<vmem>>) dst(%dma_wait3A_61 : memref<80x128xf32, #tpu.memory_space<hbm>>)
    %dma_wait3A_62 = arith.constant 0 : i32
    %dma_wait3A_63 = arith.constant 0 : i32
    %dma_wait3A_64 = tpu.memref_slice %arg5[%dma_wait3A_62, %dma_wait3A_63] : memref<320000x128xf32, #tpu.memory_space<hbm>> -> memref<80x128xf32, #tpu.memory_space<hbm>>
    %dma_wait3A_65 = arith.constant 0 : i32
    %dma_wait3A_66 = arith.constant 0 : i32
    %dma_wait3A_67 = tpu.memref_slice %arg5[%dma_wait3A_65, %dma_wait3A_66] : memref<320000x128xf32, #tpu.memory_space<hbm>> -> memref<80x128xf32, #tpu.memory_space<hbm>>
    tpu.wait_dma2 semaphore(%arg20 : memref<!tpu.dma_semaphore, #tpu.memory_space<semaphore_mem>>) src(%arg13 : memref<80x128xf32, #tpu.memory_space<vmem>>) dst(%dma_wait3A_67 : memref<80x128xf32, #tpu.memory_space<hbm>>)
    return
  }
}

module attributes {stable_mosaic.version = 14 : i64} {
  func.func @_node_proj_body(%arg0: memref<10000x128xf32, #tpu.memory_space<vmem>>, %arg1: memref<128x128xf32, #tpu.memory_space<vmem>>, %arg2: memref<10000x128xf32, #tpu.memory_space<vmem>>) attributes {dimension_semantics = [], scalar_prefetch = 0 : i64, scratch_operands = 0 : i64, tpu.core_type = #tpu.core_type<tc>} {
    %get3A = arith.constant 0 : index
    %get3A_0 = arith.constant 0 : index
    %get3A_1 = vector.load %arg0[%get3A, %get3A_0] : memref<10000x128xf32, #tpu.memory_space<vmem>>, vector<10000x128xf32>
    %get3A_2 = arith.constant 0 : index
    %get3A_3 = arith.constant 0 : index
    %get3A_4 = vector.load %arg1[%get3A_2, %get3A_3] : memref<128x128xf32, #tpu.memory_space<vmem>>, vector<128x128xf32>
    %dot_general3A = arith.constant dense<0.000000e+00> : vector<10000x128xf32>
    %dot_general3A_5 = tpu.matmul %get3A_1, %get3A_4, %dot_general3A {dimension_numbers = #tpu.dot_dimension_numbers<[1], [0], [0], [1], [0, 0, 1, 1], [], []>, transpose_lhs_hint = false} : vector<10000x128xf32>, vector<128x128xf32>, vector<10000x128xf32> -> vector<10000x128xf32>
    %mul3A = arith.constant 5.000000e-01 : f32
    %mul3A_6 = vector.broadcast %mul3A : f32 to vector<10000x128xf32>
    %mul3A_7 = arith.mulf %mul3A_6, %dot_general3A_5 : vector<10000x128xf32>
    %swap3A = arith.constant 0 : index
    %swap3A_8 = arith.constant 0 : index
    %swap3A_9 = vector.load %arg2[%swap3A, %swap3A_8] : memref<10000x128xf32, #tpu.memory_space<vmem>>, vector<10000x128xf32>
    tpu.vector_store %arg2[%swap3A, %swap3A_8], %mul3A_7 {strides = array<i32>} : memref<10000x128xf32, #tpu.memory_space<vmem>>, vector<10000x128xf32>,
    return
  }
}

module attributes {stable_mosaic.version = 14 : i64} {
  func.func @_edge_final_body(%arg0: i32, %arg1: memref<6400x128xf32, #tpu.memory_space<vmem>>, %arg2: memref<6400x1xf32, #tpu.memory_space<vmem>>, %arg3: memref<16x128xf32, #tpu.memory_space<vmem>>, %arg4: memref<128xf32, #tpu.memory_space<vmem>>, %arg5: memref<6400x128xf32, #tpu.memory_space<vmem>>) attributes {dimension_semantics = [#tpu.dimension_semantics<arbitrary>], iteration_bounds = array<i64: 50>, scalar_prefetch = 0 : i64, scratch_operands = 0 : i64, tpu.core_type = #tpu.core_type<tc>, window_params = [{transform_indices = @transform_0, window_bounds = array<i64: 6400, 128>}, {transform_indices = @transform_1, window_bounds = array<i64: 6400, 1>}, {pipeline_mode = #tpu.pipeline_mode<synchronous>, transform_indices = @transform_2, window_bounds = array<i64: 16, 128>}, {pipeline_mode = #tpu.pipeline_mode<synchronous>, transform_indices = @transform_3, window_bounds = array<i64: 128>}, {transform_indices = @transform_4, window_bounds = array<i64: 6400, 128>}]} {
    %get3A = arith.constant 0 : index
    %get3A_0 = arith.constant 0 : index
    %get3A_1 = vector.load %arg2[%get3A, %get3A_0] : memref<6400x1xf32, #tpu.memory_space<vmem>>, vector<6400x1xf32>
    %iota3A = tpu.iota {dimensions = array<i32: 1>} : vector<6400x16xi32>
    %convert_element_type3A = arith.sitofp %iota3A : vector<6400x16xi32> to vector<6400x16xf32>
    %mul3A = arith.constant 8.000000e-01 : f32
    %mul3A_2 = vector.broadcast %mul3A : f32 to vector<6400x16xf32>
    %mul3A_3 = arith.mulf %convert_element_type3A, %mul3A_2 : vector<6400x16xf32>
    %add3A = arith.constant 0.000000e+00 : f32
    %add3A_4 = vector.broadcast %add3A : f32 to vector<6400x16xf32>
    %add3A_5 = arith.addf %mul3A_3, %add3A_4 : vector<6400x16xf32>
    %sub3A = vector.broadcast %get3A_1 : vector<6400x1xf32> to vector<6400x16xf32>
    %sub3A_6 = arith.subf %sub3A, %add3A_5 : vector<6400x16xf32>
    %mul3A_7 = arith.constant -1.77777779 : f32
    %mul3A_8 = vector.broadcast %mul3A_7 : f32 to vector<6400x16xf32>
    %mul3A_9 = arith.mulf %mul3A_8, %sub3A_6 : vector<6400x16xf32>
    %mul3A_10 = arith.mulf %mul3A_9, %sub3A_6 : vector<6400x16xf32>
    %exp3A = math.exp %mul3A_10 : vector<6400x16xf32>
    %get3A_11 = arith.constant 0 : index
    %get3A_12 = arith.constant 0 : index
    %get3A_13 = vector.load %arg1[%get3A_11, %get3A_12] : memref<6400x128xf32, #tpu.memory_space<vmem>>, vector<6400x128xf32>
    %get3A_14 = arith.constant 0 : index
    %get3A_15 = arith.constant 0 : index
    %get3A_16 = vector.load %arg3[%get3A_14, %get3A_15] : memref<16x128xf32, #tpu.memory_space<vmem>>, vector<16x128xf32>
    %dot_general3A = arith.constant dense<0.000000e+00> : vector<6400x128xf32>
    %dot_general3A_17 = tpu.matmul %exp3A, %get3A_16, %dot_general3A {dimension_numbers = #tpu.dot_dimension_numbers<[1], [0], [0], [1], [0, 0, 1, 1], [], []>, transpose_lhs_hint = false} : vector<6400x16xf32>, vector<16x128xf32>, vector<6400x128xf32> -> vector<6400x128xf32>
    %add3A_18 = arith.addf %get3A_13, %dot_general3A_17 : vector<6400x128xf32>
    %get3A_19 = arith.constant 0 : index
    %get3A_20 = vector.load %arg4[%get3A_19] : memref<128xf32, #tpu.memory_space<vmem>>, vector<128xf32>
    %broadcast_in_dim3A = vector.shape_cast %get3A_20 : vector<128xf32> to vector<1x128xf32>
    %add3A_21 = vector.broadcast %broadcast_in_dim3A : vector<1x128xf32> to vector<6400x128xf32>
    %add3A_22 = arith.addf %add3A_18, %add3A_21 : vector<6400x128xf32>
    %swap3A = arith.constant 0 : index
    %swap3A_23 = arith.constant 0 : index
    %swap3A_24 = vector.load %arg5[%swap3A, %swap3A_23] : memref<6400x128xf32, #tpu.memory_space<vmem>>, vector<6400x128xf32>
    tpu.vector_store %arg5[%swap3A, %swap3A_23], %add3A_22 {strides = array<i32>} : memref<6400x128xf32, #tpu.memory_space<vmem>>, vector<6400x128xf32>,
    return
  }
  func.func @transform_0(%arg0: i32) -> (i32, i32) {
    %c0_i32 = arith.constant 0 : i32
    %c0_i32_0 = arith.constant 0 : i32
    return %arg0, %c0_i32 : i32, i32
  }
  func.func @transform_1(%arg0: i32) -> (i32, i32) {
    %c0_i32 = arith.constant 0 : i32
    %c0_i32_0 = arith.constant 0 : i32
    return %arg0, %c0_i32 : i32, i32
  }
  func.func @transform_2(%arg0: i32) -> (i32, i32) {
    %c0_i32 = arith.constant 0 : i32
    %c0_i32_0 = arith.constant 0 : i32
    %c0_i32_1 = arith.constant 0 : i32
    return %c0_i32, %c0_i32_0 : i32, i32
  }
  func.func @transform_3(%arg0: i32) -> i32 {
    %c0_i32 = arith.constant 0 : i32
    %c0_i32_0 = arith.constant 0 : i32
    return %c0_i32 : i32
  }
  func.func @transform_4(%arg0: i32) -> (i32, i32) {
    %c0_i32 = arith.constant 0 : i32
    %c0_i32_0 = arith.constant 0 : i32
    return %arg0, %c0_i32 : i32, i32
  }
}

</mosaic_0001>

<sc_bundles>
// kernel: kernel.5.cloned.1.call-start
scs
__scs_entry_jumppad:
0x0: {  	(pc) =	sbr.rel $0x88, $3  }
0x1: {  	(tag) =	ssettag $0x0;
	lr =	simm.s32 $0x1  }
0x2: {  	[smem:$0x3F9B] =	sst lr;
	_ =	strace $0xD0000000  }
0x3: {  	_ = 	snop  }
0x4: {  	_ = 	snop  }
0x5: {  	_ = 	snop  }
0x6: {  	_ = 	snop  }
0x7: {  	_ = 	snop  }
__scs_overlays_trampoline_lowered:
0x8: {  	[smem:$0x3FAA] =	sst s0  }
0x9: {  	[smem:$0x3FAB] =	sst s1  }
0xa: {  	[smem:$0x3FAC] =	sst s2  }
0xb: {  	[smem:$0x3FAD] =	sst s3  }
0xc: {  	[smem:$0x3FAE] =	sst s4  }
0xd: {  	[smem:$0x3FAF] =	sst s5  }
0xe: {  	[smem:$0x3FB0] =	sst s6  }
0xf: {  	[smem:$0x3FB1] =	sst s7  }
0x10: {  	[smem:$0x3FB2] =	sst s8  }
0x11: {  	[smem:$0x3FB3] =	sst s9;
	s0 =	simm.s32 @!p0 $0x0  }
0x12: {  	s1 =	sld [smem:$0x3F99];
	s0 =	simm.s32 @p0 $0x1  }
0x13: {  	[smem:$0x3FB4] =	sst s0;
	s0 =	simm.s32 @!p1 $0x0  }
0x14: {  	s2 =	sld [smem:$0x3F98];
	s0 =	simm.s32 @p1 $0x1  }
0x15: {  	[smem:$0x3FB5] =	sst s0;
	s0 =	simm.s32 @!p2 $0x0  }
0x16: {  	s3 =	sld [smem:$0x3FDB];
	s0 =	simm.s32 @p2 $0x1  }
0x17: {  	s4 =	simm.s32 $0x1BF5;
	[smem:$0x3FB7] =	sst s0  }
0x18: {  	s0 =	sld [smem:$0x3F9A];
	_ =	swait.ge [sflag:s4], $0x0  }
0x19: {  	s7 =	sld [smem:$0x3F9B]  }
0x1a: {  	s8 =	sadd.s32 $0xFFFFE003, lr  }
0x1b: {  	s9 =	sadd.s32 $0xFFFFFEF7, lr;
	s5 =	simm.s32 $0xFFFFFFFF;
	p2 =	slt.u32 s8, $0xFFFFF086  }
0x1c: {  	p1 =	slt.u32 s9, $0xF7A;
	s5 =	simm.s32 @!p2 $0x0  }
0x1d: {  	s5 =	simm.s32 @p1 $0x1;
	p0 =	seq.s32 s7, s2  }
0x1e: {  	s7 =	smul.u32 @!p0 $0xF7A, s2;
	p2 =	seq.s32 @!p0 s5, $0x0  }
0x1f: {  	s9 =	smul.u32 $0xF7A, s1;
	s8 =	simm.s32 @!p0 $0x1BF5;
	p2 =	por !p2, p0  }
0x20: {  	[sflag:s8] =	ssyncset.s32 @!p0 $0xFFFFF086;
	s6 =	sadd.s32 @!p0 s3, s7;
	s7 =	simm.s32 @!p0 $0x108  }
0x21: {  	s3 =	sadd.s32 s3, s9;
	s6 =	sadd.s32 @!p0 $0x88, s6;
	s7 =	simm.s32 @p2 $0x1082  }
0x22: {  	[simem:s7], [sflag:s8] =	dma.local @!p0 [hbm:s6], $0xF7A  }
0x23: {  	s9 =	sor.u32 $0xD0000000, s2;
	s6 =	simm.s32 $0x108;
	_ =	swait.ge @!p0 [sflag:s8], $0x0  }
0x24: {  	s3 =	sadd.s32 $0x88, s3;
	s6 =	simm.s32 @!p1 $0x1082;
	[sflag:s4] =	ssyncset.s32 $0xFFFFF086  }
0x25: {  	[simem:s6], [sflag:s4] =	dma.local [hbm:s3], $0xF7A  }
0x26: {  	[smem:$0x3F9B] =	sst s1;
	(tag) =	ssettag s2;
	_ =	strace s9  }
0x27: {  	s1 =	sld [smem:$0x3FAB]  }
0x28: {  	s2 =	sld [smem:$0x3FAC]  }
0x29: {  	s4 =	sld [smem:$0x3FAE]  }
0x2a: {  	p0 =	seq.s32 s5, $0x0;
	s5 =	sld [smem:$0x3FAF]  }
0x2b: {  	s6 =	sld [smem:$0x3FB0]  }
0x2c: {  	s7 =	sld [smem:$0x3FB1]  }
0x2d: {  	s3 =	simm.s32 $0x108;
	s8 =	sld [smem:$0x3FB2]  }
0x2e: {  	s3 =	simm.s32 @!p0 $0x1082;
	s9 =	sld [smem:$0x3FB3]  }
0x2f: {  	lr =	sadd.s32 s0, s3;
	s0 =	sld [smem:$0x3FAA]  }
0x30: {  	s3 =	sld [smem:$0x3FAD]  }
0x31: {  	[smem:$0x3FB6] =	sst s10  }
0x32: {  	s10 =	sld [smem:$0x3FB4];
	_ =	sdelay $0x3  }
0x33: {  	p0 =	seq.s32 s10, $0x1;
	s10 =	sld [smem:$0x3FB6];
	_ =	sdelay $0x3  }
0x34: {  	[smem:$0x3FB6] =	sst s10  }
0x35: {  	s10 =	sld [smem:$0x3FB5];
	_ =	sdelay $0x3  }
0x36: {  	p1 =	seq.s32 s10, $0x1;
	s10 =	sld [smem:$0x3FB6];
	_ =	sdelay $0x3  }
0x37: {  	[smem:$0x3FB6] =	sst s10  }
0x38: {  	s10 =	sld [smem:$0x3FB7]  }
0x39: {  	_ = 	snop;
	(pc) =	sbr.ind lr, $3  }
0x3a: {  	_ = 	snop  }
0x3b: {  	_ = 	snop  }
0x3c: {  	p2 =	seq.s32 s10, $0x1;
	s10 =	sld [smem:$0x3FB6]  }
0x3d: {  	_ =	shalt  }
0x3e: {  	_ =	shalt  }
0x3f: {  	_ =	shalt  }
0x40: {  	_ =	shalt  }
0x41: {  	_ =	shalt  }
0x42: {  	_ =	shalt  }
0x43: {  	_ =	shalt  }
0x44: {  	_ =	shalt  }
0x45: {  	_ =	shalt  }
0x46: {  	_ =	shalt  }
0x47: {  	_ =	shalt  }
0x48: {  	_ =	shalt  }
0x49: {  	_ =	shalt  }
0x4a: {  	_ =	shalt  }
0x4b: {  	_ =	shalt  }
0x4c: {  	_ =	shalt  }
0x4d: {  	_ =	shalt  }
0x4e: {  	_ =	shalt  }
0x4f: {  	_ =	shalt  }
0x50: {  	_ =	shalt  }
0x51: {  	_ =	shalt  }
0x52: {  	_ =	shalt  }
0x53: {  	_ =	shalt  }
0x54: {  	_ =	shalt  }
0x55: {  	_ =	shalt  }
0x56: {  	_ =	shalt  }
0x57: {  	_ =	shalt  }
0x58: {  	_ =	shalt  }
0x59: {  	_ =	shalt  }
0x5a: {  	_ =	shalt  }
0x5b: {  	_ =	shalt  }
0x5c: {  	_ =	shalt  }
0x5d: {  	_ =	shalt  }
0x5e: {  	_ =	shalt  }
0x5f: {  	_ =	shalt  }
0x60: {  	_ =	shalt  }
0x61: {  	_ =	shalt  }
0x62: {  	_ =	shalt  }
0x63: {  	_ =	shalt  }
0x64: {  	_ =	shalt  }
0x65: {  	_ =	shalt  }
0x66: {  	_ =	shalt  }
0x67: {  	_ =	shalt  }
0x68: {  	_ =	shalt  }
0x69: {  	_ =	shalt  }
0x6a: {  	_ =	shalt  }
0x6b: {  	_ =	shalt  }
0x6c: {  	_ =	shalt  }
0x6d: {  	_ =	shalt  }
0x6e: {  	_ =	shalt  }
0x6f: {  	_ =	shalt  }
0x70: {  	_ =	shalt  }
0x71: {  	_ =	shalt  }
0x72: {  	_ =	shalt  }
0x73: {  	_ =	shalt  }
0x74: {  	_ =	shalt  }
0x75: {  	_ =	shalt  }
0x76: {  	_ =	shalt  }
0x77: {  	_ =	shalt  }
0x78: {  	_ =	shalt  }
0x79: {  	_ =	shalt  }
0x7a: {  	_ =	shalt  }
0x7b: {  	_ =	shalt  }
0x7c: {  	_ =	shalt  }
0x7d: {  	_ =	shalt  }
0x7e: {  	_ =	shalt  }
0x7f: {  	_ =	shalt  }
0x80: {  	_ =	shalt  }
0x81: {  	_ =	shalt  }
0x82: {  	_ =	shalt  }
0x83: {  	_ =	shalt  }
0x84: {  	_ =	shalt  }
0x85: {  	_ =	shalt  }
0x86: {  	_ =	shalt  }
0x87: {  	_ =	shalt  }
.Lfunc_end0:
.L_simem_size_0:
called_computation_lowered:
.L_overlay_start_0:
0x88: {  	s2 =	sld [smem:$0x3FD9]  }
0x89: {  	s3 =	sld [smem:$0x3FFE];
	_ =	sdelay $0x1  }
0x8a: {  	s1 =	srdreg.scid  }
0x8b: {  	s0 =	sand.u32 $0x1, s1  }
0x8c: {  	s17 =	sshll.u32 s0, $0xA;
	s2 =	sadd.s32 s3, s2  }
0x8d: {  	s2 =	sadd.s32 s2, s17  }
0x8e: {  	[smem:$0x3FC2] =	sst s2  }
0x8f: {  	_ = 	snop  }
0x90: {  	s2 =	sld [smem:$0x3FD0];
	(tm) =	ssettm $0x1  }
0x91: {  	s18 =	sld [smem:$0x3FFB];
	_ =	sdelay $0x3  }
0x92: {  	_ =	strace s18  }
0x93: {  	s3 =	sld [smem:$0x3FFC];
	_ =	sdelay $0x3  }
0x94: {  	_ =	strace s3  }
0x95: {  	s3 =	sld [smem:$0x3FFD];
	_ =	sdelay $0x3  }
0x96: {  	_ =	strace s3  }
0x97: {  	_ =	strace $0x8FFFFFFF  }
0x98: {  	s19 =	sld [smem:$0x3FDB];
	_ =	sdelay $0x1  }
0x99: {  	s4 =	simm.s32 $_scs_section_size  }
0x9a: {  	s5 =	simm.s32 $_size__tile_overlayer_lowered;
	s6 =	simm.s32 $_tile_overlayer_lowered  }
0x9b: {  	s22 =	simm.s32 $0x1BFF;
	s21 =	sshll.u32 s6, $0x1;
	s3 =	sadd.s32 s4, s19  }
0x9c: {  	s7 =	simm.s32 $0x0;
	s20 =	sshll.u32 s5, $0x1;
	s5 =	sadd.s32 s21, s3  }
0x9d: {  	[timem:s7], [sflag:s22] =	dma.local [hbm:s5], s20  }
0x9e: {  	_ =	swait.ge [sflag:s22], s20  }
0x9f: {  	s4 =	ssub.s32 $0x0, s20;
	[sflag:s22] =	ssyncset.done $0x0  }
0xa0: {  	[sflag:s22] =	ssyncadd.s32 s4;
	_ =	sdelay $0x1  }
0xa1: {  	s23 =	simm.s32 $0x1B8B  }
0xa2: {  	_ =	swait.ge [sflag:s23], $0x1  }
0xa3: {  	[sflag:s23] =	ssyncset.done $0x0  }
0xa4: {  	s25 =	simm.s32 $0x1B8E;
	s24 =	sld [smem:$0x3FFE];
	[sflag:s23] =	ssyncadd.s32 $0xFFFFFFFF  }
0xa5: {  	s26 =	simm.s32 $execute0_lowered;
	[smem:$0x3FD2] =	sst s25  }
0xa6: {  	s5 =	sshll.u32 s26, $0x1;
	_ =	strace $0x80000046;
	[dreg:$0x1] =	wrdreg $0xFFFFFFFF  }
0xa7: {  	s28 =	simm.s32 $_size_execute0_lowered;
	s3 =	sadd.s32 s3, s5;
	[dreg:$0x0] =	wrdreg $0x0  }
0xa8: {  	s5 =	sshll.u32 s28, $0x1;
	[dreg:$0x2] =	wrdreg s3  }
0xa9: {  	[dreg:$0x3] =	wrdreg s5  }
0xaa: {  	[dreg:$0x4] =	wrdreg $0xC0  }
0xab: {  	_ =	task [dreg:s7], $0x5FFFF  }
0xac: {  	[dreg:$0x1] =	wrdreg $0xFFFFFFFF  }
0xad: {  	[dreg:$0x0] =	wrdreg $0x60  }
0xae: {  	[dreg:$0x2] =	wrdreg s2  }
0xaf: {  	[dreg:$0x3] =	wrdreg s24  }
0xb0: {  	[dreg:$0x4] =	wrdreg $0x0  }
0xb1: {  	[dreg:$0x5] =	wrdreg $0x9  }
0xb2: {  	_ =	task.clear_ibuf [dreg:s7], $0x6FFFF;
	_ =	strace $0x90000046  }
0xb3: {  	s29 =	simm.s32 $0x9;
	_ =	strace $0x80000048  }
0xb4: {  	_ =	swait.ge [sflag:s29], $0x1  }
0xb5: {  	[sflag:s29] =	ssyncadd.s32 $0xFFFFFFFF  }
0xb6: {  	_ =	strace $0x90000048  }
0xb7: {  	_ =	sfence  }
0xb8: {  	s30 =	sld [smem:$0x0];
	_ =	sdelay $0x2  }
0xb9: {  	s31 =	sshll.u32 s1, $0xD;
	s1 =	sshrl.u32 s1, $0x2  }
0xba: {  	s3 =	sand.u32 $0x4000, s31;
	s1 =	sadd.s32 s1, s30  }
0xbb: {  	s0 =	sor.u32 s3, s0;
	s1 =	sshll.u32 s1, $0x11  }
0xbc: {  	s0 =	sor.u32 s1, s0  }
0xbd: {  	s0 =	sadd.s32 $0x8F2B, s0  }
0xbe: {  	[sflag:s0] =	ssyncadd.remote.s32 $0x1  }
0xbf: {  	_ =	sfence.sel $0xFFFF  }
0xc0: {  	[dreg:$0x0] =	wrdreg $0xFFFFFFFF;
	(pc) =	sbr.abs _section_cstart, $3  }
0xc1: {  	[dreg:$0x1] =	wrdreg $0xFFFFFFFF  }
0xc2: {  	_ =	task.clear_ibuf [dreg:s7], $0x2FFFF;
	_ =	strace $0x9FFFFFFF  }
0xc3: {  	(tm) =	ssettm $0x7FFFFFFF  }
tec
execute0_lowered:
.L_overlay_start_1:
0x0: {  	(tag) =	ssettag $0x1  }
0x1: {  	s0 =	rddreg [dreg:$0x0]  }
0x2: {  	s3 =	rddreg [dreg:$0x1]  }
0x3: {  	s1 =	rddreg [dreg:$0x2];
	s2 =	simm.s32 $0x0;
	s4 =	srdreg.scid  }
0x4: {  	s12 =	stileid.u32;
	s28 =	simm.s32 $0x50;
	s29 =	simm.s32 $0x13A80  }
0x5: {  	s30 =	simm.s32 $0x16280;
	s31 =	simm.s32 $0x1;
	s13 =	simm.s32 $0x5  }
0x6: {  	[smem:$0x7FF] =	sst s2;
	s7 =	sand.u32 $0x1, s4;
	s4 =	sadd.s32 $0xA400, s3  }
0x7: {  	s5 =	sadd.s32 $0x600, s3;
	s10 =	smul.u32 $0x4E000, s12;
	s6 =	sadd.s32 $0x14200, s3  }
0x8: {  	s16 =	sshll.u32 s12, $0x1;
	s18 =	smul.u32 $0x2700, s12;
	s19 =	sshll.u32 s12, $0x6  }
0x9: {  	p0 =	sne.s32 s12, $0xF;
	s3 =	simm.s32 $0x8;
	s8 =	ssub.s32 $0x2, s7  }
0xa: {  	s12 =	simm.s32 $0x4;
	_ =	strace $0x80000047;
	s9 =	sshrl.u32 s8, $0x1  }
0xb: {  	s17 =	sshrl.u32 s10, $0x2;
	s10 =	sadd.s32 s0, s18;
	s0 =	sadd.s32 $0x27000, s0  }
0xc: {  	s14 =	ssub.s32 s8, s9;
	s8 =	sor.u32 s7, s16;
	s11 =	sadd.s32 s17, s1  }
0xd: {  	[dreg:$0x4] =	wrdreg s10;
	s9 =	sor.u32 $0x1C09, s19;
	s10 =	sadd.s32 $0x138000, s1  }
0xe: {  	[dreg:$0x6] =	wrdreg s0;
	s17 =	simm.s32 $0x0;
	s7 =	smul.u32 $0x2710, s8  }
0xf: {  	[dreg:$0x5] =	wrdreg s9;
	s8 =	smul.u32 $0x138800, s8;
	s25 =	smax.u32 s14, $0x1  }
0x10: {  	s26 =	sshrl.u32 s11, $0x3;
	s11 =	simm.s32 $0x3;
	[dreg:$0xc] =	wrdreg s25  }
0x11: {  	[dreg:$0xd] =	wrdreg s26;
	s25 =	simm.s32 $0x13A00;
	s26 =	simm.s32 $0x7  }
0x12: {  	s20 =	sshrl.u32 s7, $0x3;
	s24 =	sshrl.u32 s8, $0x3;
	s15 =	sadd.s32 $0xA0, s7  }
0x13: {  	s16 =	sadd.s32 $0xF0, s7;
	s8 =	simm.s32 $0x18A80;
	s21 =	sadd.s32 s4, s20  }
0x14: {  	s22 =	sadd.s32 s5, s20;
	s0 =	sadd.s32 $0xA, s20;
	[dreg:$0x7] =	wrdreg s21  }
0x15: {  	[dreg:$0x8] =	wrdreg s22;
	s23 =	sadd.s32 s4, s0;
	s0 =	sadd.s32 s5, s0  }
0x16: {  	s22 =	simm.s32 $0x13880;
	[dreg:$0xa] =	wrdreg s0;
	s0 =	sadd.s32 s6, s24  }
0x17: {  	[dreg:$0x9] =	wrdreg s23;
	s23 =	simm.s32 $0x13900;
	s0 =	sadd.s32 $0x26C00, s0  }
0x18: {  	s24 =	simm.s32 $0x13980;
	[dreg:$0xb] =	wrdreg s0;
	s0 =	sshrl.u32 @!p0 s10, $0x3  }
0x19: {  	s10 =	simm.s32 $0x1B280;
	[dreg:$0xe] =	wrdreg s0;
	s0 =	simm.s32 $0x2  }
.LBB2_1:
0x1a: {  	s9 =	rddreg [dreg:$0x4]  }
0x1b: {  	s14 =	rddreg [dreg:$0x5]  }
0x1c: {  	s18 =	rddreg [dreg:$0xd];
	s21 =	simm.s32 $0x9  }
0x1d: {  	[spmem:s18], [sflag:s14] =	dma.local [hbm:s9], $0x2700  }
0x1e: {  	_ =	swait.ge [sflag:s21], $0x2700  }
0x1f: {  	[sflag:s21] =	ssyncset.done $0x0;
	s9 =	rddreg [dreg:$0x6]  }
0x20: {  	s18 =	rddreg [dreg:$0xe];
	[sflag:s21] =	ssyncadd.s32 $0xFFFFD900  }
0x21: {  	[spmem:s18], [sflag:s14] =	dma.local @!p0 [hbm:s9], $0x100  }
0x22: {  	s14 =	simm.s32 @!p0 $0x9  }
0x23: {  	_ =	swait.ge @!p0 [sflag:s14], $0x100  }
0x24: {  	[sflag:s14] =	ssyncset.done @!p0 $0x0  }
0x25: {  	[sflag:s14] =	ssyncadd.s32 @!p0 $0xFFFFFF00  }
0x26: {  	[bflag:$0x0] =	sbarrier.arrive $0xFFFF  }
0x27: {  	s18 =	rddreg [dreg:$0x7]  }
0x28: {  	[tilespmem:s22], [sflag:$0x7] =	stream.linear.gather [hbm4b:s18+s2], $0x50, $0x38;
	[tilespmem:$0x1DA80] =	vst v63  }
0x29: {  	s19 =	rddreg [dreg:$0x8]  }
0x2a: {  	[tilespmem:s23], [sflag:$0x7] =	stream.linear.gather [hbm4b:s19+s2], $0x50, $0x38;
	[tilespmem:$0x1DA80] =	vst v63  }
0x2b: {  	s20 =	rddreg [dreg:$0x9]  }
0x2c: {  	[tilespmem:s24], [sflag:$0x8] =	stream.linear.gather [hbm4b:s20+s2], $0x50, $0x38;
	[tilespmem:$0x1DA80] =	vst v63  }
0x2d: {  	s21 =	rddreg [dreg:$0xa]  }
0x2e: {  	[tilespmem:s25], [sflag:$0x8] =	stream.linear.gather [hbm4b:s21+s2], $0x50, $0x38;
	[tilespmem:$0x1DA80] =	vst v63  }
0x2f: {  	_ =	swait.ge [sflag:s26], $0x50  }
0x30: {  	[sflag:s26] =	ssyncset.done $0x0  }
0x31: {  	[sflag:s26] =	ssyncadd.s32 $0xFFFFFFB0  }
0x32: {  	_ =	swait.ge [sflag:s26], $0x50  }
0x33: {  	[sflag:s26] =	ssyncset.done $0x0  }
0x34: {  	[sflag:s26] =	ssyncadd.s32 $0xFFFFFFB0  }
0x35: {  	[tilespmem:s29], [sflag:$0x1] =	stream.indirect.gather [spmem:s1], $0x80, s22, s28, $0xb8;
	[tilespmem:$0x1DA80] =	vst v63  }
0x36: {  	s18 =	simm.s32 $0x0  }
0x37: {  	[tilespmem:s30], [sflag:$0x2] =	stream.indirect.gather [spmem:s1], $0x80, s23, s28, $0xb8;
	[tilespmem:$0x1DA80] =	vst v63  }
.LBB2_2:
0x38: {  	_ =	swait.ge [sflag:s31], $0x2800  }
0x39: {  	s19 =	smul.u32 $0xA0, s18;
	[sflag:s31] =	ssyncset.done $0x0  }
0x3a: {  	[sflag:s31] =	ssyncadd.s32 $0xFFFFD800  }
0x3b: {  	s14 =	sadd.s32 s19, s15;
	_ =	swait.ge [sflag:s0], $0x2800  }
0x3c: {  	s14 =	sshrl.u32 s14, $0x3;
	[sflag:s0] =	ssyncset.done $0x0  }
0x3d: {  	s20 =	sadd.s32 s4, s14;
	[sflag:s0] =	ssyncadd.s32 $0xFFFFD800  }
0x3e: {  	[tilespmem:s22], [sflag:$0x7] =	stream.linear.gather [hbm4b:s20+s2], $0x50, $0x38;
	[tilespmem:$0x1DA80] =	vst v63  }
0x3f: {  	p1 =	seq.s32 s18, $0x0;
	s14 =	sadd.s32 s5, s14  }
0x40: {  	[tilespmem:s23], [sflag:$0x7] =	stream.linear.gather [hbm4b:s14+s2], $0x50, $0x38;
	[tilespmem:$0x1DA80] =	vst v63  }
0x41: {  	s14 =	simm.s32 @!p1 $0x6  }
0x42: {  	_ =	swait.ge @!p1 [sflag:s14], $0x2800  }
0x43: {  	[sflag:s14] =	ssyncset.done @!p1 $0x0  }
0x44: {  	[sflag:s14] =	ssyncadd.s32 @!p1 $0xFFFFD800  }
0x45: {  	_ =	swait.ge [sflag:s3], $0x50  }
0x46: {  	[sflag:s3] =	ssyncset.done $0x0  }
0x47: {  	[sflag:s3] =	ssyncadd.s32 $0xFFFFFFB0  }
0x48: {  	_ =	swait.ge [sflag:s3], $0x50  }
0x49: {  	[sflag:s3] =	ssyncset.done $0x0  }
0x4a: {  	[sflag:s3] =	ssyncadd.s32 $0xFFFFFFB0  }
0x4b: {  	[tilespmem:s8], [sflag:$0x3] =	stream.indirect.gather [spmem:s1], $0x80, s24, s28, $0xb8;
	[tilespmem:$0x1DA80] =	vst v63  }
0x4c: {  	s21 =	simm.s32 $0x0  }
0x4d: {  	[tilespmem:s10], [sflag:$0x4] =	stream.indirect.gather [spmem:s1], $0x80, s25, s28, $0xb8;
	[tilespmem:$0x1DA80] =	vst v63  }
0x4e: {  	v7 =	vld [tilespmem:s21+$0x16280]  }
0x4f: {  	v11 =	vld [tilespmem:s21+$0x16290]  }
0x50: {  	v5 =	vld [tilespmem:s21+$0x162A0]  }
0x51: {  	v4 =	vld [tilespmem:s21+$0x162B0]  }
0x52: {  	v3 =	vld [tilespmem:s21+$0x162C0]  }
0x53: {  	v2 =	vld [tilespmem:s21+$0x162D0]  }
0x54: {  	v1 =	vld [tilespmem:s21+$0x162E0]  }
0x55: {  	v0 =	vld [tilespmem:s21+$0x162F0]  }
0x56: {  	v12 =	vld [tilespmem:s21+$0x13A80]  }
0x57: {  	v13 =	vld [tilespmem:s21+$0x13A90]  }
0x58: {  	v10 =	vld [tilespmem:s21+$0x13AA0]  }
0x59: {  	v9 =	vld [tilespmem:s21+$0x13AB0]  }
0x5a: {  	v8 =	vld [tilespmem:s21+$0x13AC0]  }
0x5b: {  	v6 =	vld [tilespmem:s21+$0x13AD0];
	v12 =	vadd.f32 v7, v12  }
0x5c: {  	s20 =	sshll.u32 s18, $0x1;
	s14 =	simm.s32 $0x200;
	v11 =	vadd.f32 v11, v13;
	v7 =	vld [tilespmem:s21+$0x13AE0]  }
.LBB2_3:
0x5d: {  	s9 =	sshra.s32 s14, $0x2;
	p1 =	sne.s32 s14, $0x9E00;
	[tilespmem:s21+$0x13A80] =	vst v12;
	v5 =	vadd.f32 v5, v10;
	v10 =	vld [tilespmem:s21+$0x13AF0]  }
0x5e: {  	v12 =	vld [tilespmem:s9+$0x16280];
	[tilespmem:s21+$0x13A90] =	vst v11;
	v4 =	vadd.f32 v4, v9  }
0x5f: {  	v11 =	vld [tilespmem:s9+$0x16290];
	[tilespmem:s21+$0x13AA0] =	vst v5;
	v3 =	vadd.f32 v3, v8  }
0x60: {  	v5 =	vld [tilespmem:s9+$0x162A0];
	[tilespmem:s21+$0x13AB0] =	vst v4;
	v2 =	vadd.f32 v2, v6  }
0x61: {  	v4 =	vld [tilespmem:s9+$0x162B0];
	[tilespmem:s21+$0x13AC0] =	vst v3;
	v1 =	vadd.f32 v1, v7  }
0x62: {  	v3 =	vld [tilespmem:s9+$0x162C0];
	[tilespmem:s21+$0x13AD0] =	vst v2;
	v0 =	vadd.f32 v0, v10  }
0x63: {  	v2 =	vld [tilespmem:s9+$0x162D0];
	[tilespmem:s21+$0x13AE0] =	vst v1  }
0x64: {  	v1 =	vld [tilespmem:s9+$0x162E0];
	[tilespmem:s21+$0x13AF0] =	vst v0;
	s21 =	smov.u32 s9  }
0x65: {  	v0 =	vld [tilespmem:s21+$0x162F0]  }
0x66: {  	v6 =	vld [tilespmem:s21+$0x13A80]  }
0x67: {  	v7 =	vld [tilespmem:s21+$0x13A90]  }
.Ltmp0:
0x68: {  	v10 =	vld [tilespmem:s21+$0x13AA0];
	(pc) =	sbr.rel @p1 .LBB2_3-.Ltmp0, $4  }
0x69: {  	v9 =	vld [tilespmem:s21+$0x13AB0]  }
0x6a: {  	v8 =	vld [tilespmem:s21+$0x13AC0]  }
0x6b: {  	v12 =	vadd.f32 v12, v6;
	v6 =	vld [tilespmem:s21+$0x13AD0]  }
0x6c: {  	s14 =	sadd.s32 $0x200, s14;
	v11 =	vadd.f32 v11, v7;
	v7 =	vld [tilespmem:s21+$0x13AE0]  }
0x6d: {  	[tilespmem:s21+$0x13A80] =	vst v12;
	v5 =	vadd.f32 v5, v10;
	v10 =	vld [tilespmem:s21+$0x13AF0]  }
0x6e: {  	[tilespmem:s21+$0x13A90] =	vst v11;
	v4 =	vadd.f32 v4, v9  }
0x6f: {  	[tilespmem:s21+$0x13AA0] =	vst v5;
	v3 =	vadd.f32 v3, v8  }
0x70: {  	[tilespmem:s21+$0x13AB0] =	vst v4;
	v2 =	vadd.f32 v2, v6  }
0x71: {  	[tilespmem:s21+$0x13AC0] =	vst v3;
	v1 =	vadd.f32 v1, v7  }
0x72: {  	s9 =	sadd.s32 s7, s19;
	[tilespmem:s21+$0x13AD0] =	vst v2;
	v0 =	vadd.f32 v0, v10  }
0x73: {  	s9 =	sshll.u32 s9, $0x4;
	[tilespmem:s21+$0x13AE0] =	vst v1  }
0x74: {  	s9 =	sadd.s32 s6, s9;
	[tilespmem:s21+$0x13AF0] =	vst v0  }
0x75: {  	[hbm4b:s9+s2] =	stream.linear.scatter [tilespmem:s29], [sflag:$0x5], $0x2800, $0x38;
	[tilespmem:$0x1DA80] =	vst v63  }
0x76: {  	_ =	swait.ge [sflag:s11], $0x2800  }
0x77: {  	s21 =	sor.u32 $0x1, s20;
	[sflag:s11] =	ssyncset.done $0x0  }
0x78: {  	p1 =	sgt.u32 s21, $0x7A;
	[sflag:s11] =	ssyncadd.s32 $0xFFFFD800  }
0x79: {  	s9 =	sadd.s32 @!p1 s19, s16;
	_ =	swait.ge [sflag:s12], $0x2800  }
0x7a: {  	s19 =	simm.s32 @!p1 $0x0;
	s9 =	sshrl.u32 @!p1 s9, $0x3;
	[sflag:s12] =	ssyncset.done $0x0  }
0x7b: {  	s20 =	simm.s32 @!p1 $0x13980;
	s14 =	sadd.s32 @!p1 s4, s9;
	[sflag:s12] =	ssyncadd.s32 $0xFFFFD800  }
0x7c: {  	[tilespmem:s20], [sflag:$0x8] =	stream.linear.gather @!p1 [hbm4b:s14+s19], $0x50, $0x38;
	[tilespmem:$0x1DA80] =	vst v63  }
0x7d: {  	s9 =	sadd.s32 @!p1 s5, s9;
	s14 =	simm.s32 @!p1 $0x13A00  }
0x7e: {  	[tilespmem:s14], [sflag:$0x8] =	stream.linear.gather @!p1 [hbm4b:s9+s19], $0x50, $0x38;
	[tilespmem:$0x1DA80] =	vst v63  }
0x7f: {  	_ =	swait.ge [sflag:s13], $0x2800  }
0x80: {  	[sflag:s13] =	ssyncset.done $0x0  }
0x81: {  	[sflag:s13] =	ssyncadd.s32 $0xFFFFD800  }
0x82: {  	_ =	swait.ge [sflag:s26], $0x50  }
0x83: {  	[sflag:s26] =	ssyncset.done $0x0  }
0x84: {  	[sflag:s26] =	ssyncadd.s32 $0xFFFFFFB0  }
0x85: {  	_ =	swait.ge [sflag:s26], $0x50  }
0x86: {  	[sflag:s26] =	ssyncset.done $0x0  }
0x87: {  	[sflag:s26] =	ssyncadd.s32 $0xFFFFFFB0  }
0x88: {  	[tilespmem:s29], [sflag:$0x1] =	stream.indirect.gather [spmem:s1], $0x80, s22, s28, $0xb8;
	[tilespmem:$0x1DA80] =	vst v63  }
0x89: {  	s19 =	simm.s32 $0x0  }
0x8a: {  	[tilespmem:s30], [sflag:$0x2] =	stream.indirect.gather [spmem:s1], $0x80, s23, s28, $0xb8;
	[tilespmem:$0x1DA80] =	vst v63  }
0x8b: {  	v6 =	vld [tilespmem:s19+$0x1B280]  }
0x8c: {  	v11 =	vld [tilespmem:s19+$0x1B290]  }
0x8d: {  	v5 =	vld [tilespmem:s19+$0x1B2A0]  }
0x8e: {  	v4 =	vld [tilespmem:s19+$0x1B2B0]  }
0x8f: {  	v3 =	vld [tilespmem:s19+$0x1B2C0]  }
0x90: {  	v2 =	vld [tilespmem:s19+$0x1B2D0]  }
0x91: {  	v1 =	vld [tilespmem:s19+$0x1B2E0]  }
0x92: {  	v0 =	vld [tilespmem:s19+$0x1B2F0]  }
0x93: {  	v12 =	vld [tilespmem:s19+$0x18A80]  }
0x94: {  	v13 =	vld [tilespmem:s19+$0x18A90]  }
0x95: {  	v10 =	vld [tilespmem:s19+$0x18AA0]  }
0x96: {  	v9 =	vld [tilespmem:s19+$0x18AB0]  }
0x97: {  	v8 =	vld [tilespmem:s19+$0x18AC0]  }
0x98: {  	v7 =	vld [tilespmem:s19+$0x18AD0];
	v12 =	vadd.f32 v6, v12  }
0x99: {  	s14 =	simm.s32 $0x200;
	v11 =	vadd.f32 v11, v13;
	v6 =	vld [tilespmem:s19+$0x18AE0]  }
.LBB2_5:
0x9a: {  	s9 =	sshra.s32 s14, $0x2;
	p1 =	sne.s32 s14, $0x9E00;
	[tilespmem:s19+$0x18A80] =	vst v12;
	v5 =	vadd.f32 v5, v10;
	v10 =	vld [tilespmem:s19+$0x18AF0]  }
0x9b: {  	v12 =	vld [tilespmem:s9+$0x1B280];
	[tilespmem:s19+$0x18A90] =	vst v11;
	v4 =	vadd.f32 v4, v9  }
0x9c: {  	v11 =	vld [tilespmem:s9+$0x1B290];
	[tilespmem:s19+$0x18AA0] =	vst v5;
	v3 =	vadd.f32 v3, v8  }
0x9d: {  	v5 =	vld [tilespmem:s9+$0x1B2A0];
	[tilespmem:s19+$0x18AB0] =	vst v4;
	v2 =	vadd.f32 v2, v7  }
0x9e: {  	v4 =	vld [tilespmem:s9+$0x1B2B0];
	[tilespmem:s19+$0x18AC0] =	vst v3;
	v1 =	vadd.f32 v1, v6  }
0x9f: {  	v3 =	vld [tilespmem:s9+$0x1B2C0];
	[tilespmem:s19+$0x18AD0] =	vst v2;
	v0 =	vadd.f32 v0, v10  }
0xa0: {  	v2 =	vld [tilespmem:s9+$0x1B2D0];
	[tilespmem:s19+$0x18AE0] =	vst v1  }
0xa1: {  	v1 =	vld [tilespmem:s9+$0x1B2E0];
	[tilespmem:s19+$0x18AF0] =	vst v0;
	s19 =	smov.u32 s9  }
0xa2: {  	v0 =	vld [tilespmem:s19+$0x1B2F0]  }
0xa3: {  	v6 =	vld [tilespmem:s19+$0x18A80]  }
0xa4: {  	v13 =	vld [tilespmem:s19+$0x18A90]  }
.Ltmp1:
0xa5: {  	v10 =	vld [tilespmem:s19+$0x18AA0];
	(pc) =	sbr.rel @p1 .LBB2_5-.Ltmp1, $4  }
0xa6: {  	v9 =	vld [tilespmem:s19+$0x18AB0]  }
0xa7: {  	v8 =	vld [tilespmem:s19+$0x18AC0]  }
0xa8: {  	v12 =	vadd.f32 v12, v6;
	v7 =	vld [tilespmem:s19+$0x18AD0]  }
0xa9: {  	s14 =	sadd.s32 $0x200, s14;
	v11 =	vadd.f32 v11, v13;
	v6 =	vld [tilespmem:s19+$0x18AE0]  }
0xaa: {  	[tilespmem:s19+$0x18A80] =	vst v12;
	v5 =	vadd.f32 v5, v10;
	v63 =	vld [tilespmem:s19+$0x18AF0]  }
0xab: {  	[tilespmem:s19+$0x18A90] =	vst v11;
	v4 =	vadd.f32 v4, v9  }
0xac: {  	s18 =	sadd.s32 $0x1, s18;
	[tilespmem:s19+$0x18AA0] =	vst v5;
	v3 =	vadd.f32 v3, v8  }
0xad: {  	s9 =	smul.u32 $0x50, s21;
	p1 =	sne.s32 s18, $0x3E;
	[tilespmem:s19+$0x18AB0] =	vst v4;
	v2 =	vadd.f32 v2, v7  }
.Ltmp2:
0xae: {  	[tilespmem:s19+$0x18AC0] =	vst v3;
	v1 =	vadd.f32 v1, v6;
	(pc) =	sbr.rel @p1 .LBB2_2-.Ltmp2, $4  }
0xaf: {  	s9 =	sadd.s32 s7, s9;
	[tilespmem:s19+$0x18AD0] =	vst v2;
	v0 =	vadd.f32 v0, v63  }
0xb0: {  	s9 =	sshll.u32 s9, $0x4;
	[tilespmem:s19+$0x18AE0] =	vst v1  }
0xb1: {  	s9 =	sadd.s32 s6, s9;
	[tilespmem:s19+$0x18AF0] =	vst v0  }
0xb2: {  	[hbm4b:s9+s2] =	stream.linear.scatter [tilespmem:s8], [sflag:$0x6], $0x2800, $0x38;
	[tilespmem:$0x1DA80] =	vst v63  }
0xb3: {  	_ =	swait.ge [sflag:s31], $0x2800  }
0xb4: {  	[sflag:s31] =	ssyncset.done $0x0  }
0xb5: {  	[sflag:s31] =	ssyncadd.s32 $0xFFFFD800  }
0xb6: {  	_ =	swait.ge [sflag:s0], $0x2800  }
0xb7: {  	[sflag:s0] =	ssyncset.done $0x0  }
0xb8: {  	s18 =	simm.s32 $0x0;
	[sflag:s0] =	ssyncadd.s32 $0xFFFFD800  }
0xb9: {  	v7 =	vld [tilespmem:s18+$0x16280]  }
0xba: {  	v11 =	vld [tilespmem:s18+$0x16290]  }
0xbb: {  	v5 =	vld [tilespmem:s18+$0x162A0]  }
0xbc: {  	v4 =	vld [tilespmem:s18+$0x162B0]  }
0xbd: {  	v3 =	vld [tilespmem:s18+$0x162C0]  }
0xbe: {  	v2 =	vld [tilespmem:s18+$0x162D0]  }
0xbf: {  	v1 =	vld [tilespmem:s18+$0x162E0]  }
0xc0: {  	v0 =	vld [tilespmem:s18+$0x162F0]  }
0xc1: {  	v12 =	vld [tilespmem:s18+$0x13A80]  }
0xc2: {  	v13 =	vld [tilespmem:s18+$0x13A90]  }
0xc3: {  	v10 =	vld [tilespmem:s18+$0x13AA0]  }
0xc4: {  	v9 =	vld [tilespmem:s18+$0x13AB0]  }
0xc5: {  	v8 =	vld [tilespmem:s18+$0x13AC0]  }
0xc6: {  	v6 =	vld [tilespmem:s18+$0x13AD0];
	v12 =	vadd.f32 v7, v12  }
0xc7: {  	s14 =	simm.s32 $0x200;
	v11 =	vadd.f32 v11, v13;
	v7 =	vld [tilespmem:s18+$0x13AE0]  }
.LBB2_8:
0xc8: {  	s9 =	sshra.s32 s14, $0x2;
	p1 =	sne.s32 s14, $0x9E00;
	[tilespmem:s18+$0x13A80] =	vst v12;
	v5 =	vadd.f32 v5, v10;
	v10 =	vld [tilespmem:s18+$0x13AF0]  }
0xc9: {  	v12 =	vld [tilespmem:s9+$0x16280];
	[tilespmem:s18+$0x13A90] =	vst v11;
	v4 =	vadd.f32 v4, v9  }
0xca: {  	v11 =	vld [tilespmem:s9+$0x16290];
	[tilespmem:s18+$0x13AA0] =	vst v5;
	v3 =	vadd.f32 v3, v8  }
0xcb: {  	v5 =	vld [tilespmem:s9+$0x162A0];
	[tilespmem:s18+$0x13AB0] =	vst v4;
	v2 =	vadd.f32 v2, v6  }
0xcc: {  	v4 =	vld [tilespmem:s9+$0x162B0];
	[tilespmem:s18+$0x13AC0] =	vst v3;
	v1 =	vadd.f32 v1, v7  }
0xcd: {  	v3 =	vld [tilespmem:s9+$0x162C0];
	[tilespmem:s18+$0x13AD0] =	vst v2;
	v0 =	vadd.f32 v0, v10  }
0xce: {  	v2 =	vld [tilespmem:s9+$0x162D0];
	[tilespmem:s18+$0x13AE0] =	vst v1  }
0xcf: {  	v1 =	vld [tilespmem:s9+$0x162E0];
	[tilespmem:s18+$0x13AF0] =	vst v0;
	s18 =	smov.u32 s9  }
0xd0: {  	v0 =	vld [tilespmem:s18+$0x162F0]  }
0xd1: {  	v6 =	vld [tilespmem:s18+$0x13A80]  }
0xd2: {  	v7 =	vld [tilespmem:s18+$0x13A90]  }
.Ltmp3:
0xd3: {  	v10 =	vld [tilespmem:s18+$0x13AA0];
	(pc) =	sbr.rel @p1 .LBB2_8-.Ltmp3, $4  }
0xd4: {  	v9 =	vld [tilespmem:s18+$0x13AB0]  }
0xd5: {  	v8 =	vld [tilespmem:s18+$0x13AC0]  }
0xd6: {  	v12 =	vadd.f32 v12, v6;
	v6 =	vld [tilespmem:s18+$0x13AD0]  }
0xd7: {  	s14 =	sadd.s32 $0x200, s14;
	v11 =	vadd.f32 v11, v7;
	v7 =	vld [tilespmem:s18+$0x13AE0]  }
0xd8: {  	[tilespmem:s18+$0x13A80] =	vst v12;
	v5 =	vadd.f32 v5, v10;
	v63 =	vld [tilespmem:s18+$0x13AF0]  }
0xd9: {  	[tilespmem:s18+$0x13A90] =	vst v11;
	v4 =	vadd.f32 v4, v9  }
0xda: {  	[tilespmem:s18+$0x13AA0] =	vst v5;
	v3 =	vadd.f32 v3, v8  }
0xdb: {  	[tilespmem:s18+$0x13AB0] =	vst v4;
	v2 =	vadd.f32 v2, v6  }
0xdc: {  	[tilespmem:s18+$0x13AC0] =	vst v3;
	v1 =	vadd.f32 v1, v7  }
0xdd: {  	[tilespmem:s18+$0x13AD0] =	vst v2;
	v0 =	vadd.f32 v0, v63  }
0xde: {  	[tilespmem:s18+$0x13AE0] =	vst v1  }
0xdf: {  	s9 =	rddreg [dreg:$0xb];
	[tilespmem:s18+$0x13AF0] =	vst v0  }
0xe0: {  	[hbm4b:s9+s2] =	stream.linear.scatter [tilespmem:s29], [sflag:$0x5], $0x2800, $0x38;
	[tilespmem:$0x1DA80] =	vst v63  }
0xe1: {  	_ =	swait.ge [sflag:s13], $0x2800  }
0xe2: {  	[sflag:s13] =	ssyncset.done $0x0  }
0xe3: {  	s14 =	simm.s32 $0x6;
	[sflag:s13] =	ssyncadd.s32 $0xFFFFD800  }
0xe4: {  	_ =	swait.ge [sflag:s14], $0x2800  }
0xe5: {  	s17 =	sadd.s32 $0x1, s17;
	s21 =	rddreg [dreg:$0xc]  }
0xe6: {  	p1 =	sne.s32 s17, s21  }
.Ltmp4:
0xe7: {  	_ = 	snop;
	(pc) =	sbr.rel @p1 .LBB2_1-.Ltmp4, $3  }
0xe8: {  	_ =	sdelay $0x1  }
0xe9: {  	[sflag:s14] =	ssyncset.done $0x0  }
0xea: {  	[sflag:s14] =	ssyncadd.s32 $0xFFFFD800  }
0xeb: {  	_ =	sfence.sel $0x180000  }
0xec: {  	[bflag:$0x0] =	sbarrier.arrive $0xFFFF  }
0xed: {  	_ =	strace $0x90000047  }
0xee: {  	s0 =	stileid.u32;
	[bflag:$0x2] =	sbarrier.arrive $0xFFFF  }
0xef: {  	p0 =	sne.s32 s0, $0x0;
	s0 =	rddreg [dreg:$0x3]  }
0xf0: {  	s0 =	sadd.s32 @!p0 $0x100000, s0  }
0xf1: {  	[sflag:s0] =	ssyncadd.tile.s32 @!p0 $0x1;
	_ =	shalt  }
.Lfunc_end2:
_tile_overlayer_lowered:
.L_overlay_start_2:
0xf2: {  	(tag) =	ssettag $0x2  }
0xf3: {  	s0 =	rddreg [dreg:$0x0];
	s2 =	stileid.u32  }
0xf4: {  	s1 =	rddreg [dreg:$0x1];
	p0 =	sne.s32 s2, $0x0  }
0xf5: {  	s3 =	rddreg [dreg:$0x2];
	[bflag:$0x3] =	sbarrier.arrive $0xFFFF;
	s2 =	simm.s32 @!p0 $0x1C09  }
0xf6: {  	[timem:s3], [sflag:s2] =	dma.local @!p0 [hbm:s0], s1  }
0xf7: {  	s0 =	simm.s32 @!p0 $0x9  }
0xf8: {  	_ =	swait.ge @!p0 [sflag:s0], s1  }
0xf9: {  	s1 =	ssub.s32 @!p0 $0x0, s1;
	[sflag:s0] =	ssyncset.done @!p0 $0x0  }
0xfa: {  	[sflag:s0] =	ssyncadd.s32 @!p0 s1  }
0xfb: {  	[bflag:$0x3] =	sbarrier.arrive $0xFFFF  }
0xfc: {  	_ =	shalt  }

</sc_bundles>
